<compile_context>
chip_gen: v7x
topology: tpu7x:2x2x1
jax: 0.10.2.dev20260603
libtpu: 0.0.44.dev20260713+nightly
codegen_flags: <defaults>
</compile_context>

<pallas_src>
import functools

import jax
import jax.numpy as jnp
from jax import lax
from jax.experimental import pallas as pl
from jax.experimental.pallas import tpu as pltpu
from jax.experimental.pallas import tpu_sc as plsc

_NC = 2
_NS = 16


def _mesh():
    return plsc.VectorSubcoreMesh(core_axis_name="c", subcore_axis_name="s")



def _make_deg_kernel(n_pad, ch):
    rpt = n_pad // _NS

    @functools.partial(
        pl.kernel,
        mesh=_mesh(),
        out_type=jax.ShapeDtypeStruct((_NC, n_pad), jnp.float32),
        scratch_types=[
            pltpu.VMEM((ch, 128), jnp.int32),
            pltpu.VMEM((128,), jnp.float32),
            pltpu.VMEM_SHARED((n_pad,), jnp.float32),
        ],
    )
    def deg_kernel(zeros_hbm, row_hbm, out_hbm, row_v, ones_v, deg_sh):
        cid = lax.axis_index("c")
        sid = lax.axis_index("s")
        wid = sid * _NC + cid
        pltpu.sync_copy(zeros_hbm.at[pl.ds(sid * rpt, rpt)],
                        deg_sh.at[pl.ds(sid * rpt, rpt)])
        pltpu.sync_copy(row_hbm.at[wid], row_v)
        for i in range(8):
            ones_v[pl.ds(i * 16, 16)] = jnp.ones((16,), jnp.float32)
        plsc.subcore_barrier()

        def body(j, carry):
            pltpu.sync_copy(ones_v, deg_sh.at[row_v.at[j]], add=True)
            return carry

        lax.fori_loop(0, ch, body, 0)
        plsc.subcore_barrier()
        pltpu.sync_copy(deg_sh.at[pl.ds(sid * rpt, rpt)],
                        out_hbm.at[cid, pl.ds(sid * rpt, rpt)])

    return deg_kernel


def _make_spmm_kernel(n_pad, ch, f):
    rpt = n_pad // _NS

    @functools.partial(
        pl.kernel,
        mesh=_mesh(),
        out_type=jax.ShapeDtypeStruct((_NC, n_pad, f), jnp.float32),
        scratch_types=[
            pltpu.VMEM((ch, 128), jnp.int32),
            pltpu.VMEM((ch, 128), jnp.int32),
            pltpu.VMEM((64, f), jnp.float32),
            pltpu.VMEM((64, f), jnp.float32),
            pltpu.VMEM_SHARED((n_pad, f), jnp.float32),
            pltpu.SemaphoreType.DMA,
            pltpu.SemaphoreType.DMA,
        ],
    )
    def spmm_kernel(g_hbm, zeros_hbm, col_hbm, row_hbm, out_hbm,
                    col_v, row_v, buf0, buf1, acc_sh, sem0, sem1):
        bufs = (buf0, buf1)
        sems = (sem0, sem1)
        cid = lax.axis_index("c")
        sid = lax.axis_index("s")
        wid = sid * _NC + cid
        pltpu.sync_copy(zeros_hbm.at[pl.ds(sid * rpt, rpt)],
                        acc_sh.at[pl.ds(sid * rpt, rpt)])
        pltpu.sync_copy(col_hbm.at[wid], col_v)
        pltpu.sync_copy(row_hbm.at[wid], row_v)
        plsc.subcore_barrier()

        for h in range(2):
            pltpu.async_copy(g_hbm.at[col_v.at[0, pl.ds(h * 64, 64)]],
                             bufs[h], sems[h])

        def body(r, carry):
            rn = jnp.minimum(r + 1, ch - 1)
            for h in range(2):
                pltpu.make_async_copy(
                    g_hbm.at[col_v.at[r, pl.ds(h * 64, 64)]],
                    bufs[h], sems[h]).wait()
                pltpu.sync_copy(bufs[h],
                                acc_sh.at[row_v.at[r, pl.ds(h * 64, 64)]],
                                add=True)
                pltpu.async_copy(g_hbm.at[col_v.at[rn, pl.ds(h * 64, 64)]],
                                 bufs[h], sems[h])
            return carry

        lax.fori_loop(0, ch, body, 0)
        for h in range(2):
            pltpu.make_async_copy(
                g_hbm.at[col_v.at[0, pl.ds(h * 64, 64)]],
                bufs[h], sems[h]).wait()
        plsc.subcore_barrier()
        pltpu.sync_copy(acc_sh.at[pl.ds(sid * rpt, rpt)],
                        out_hbm.at[cid, pl.ds(sid * rpt, rpt)])

    return spmm_kernel



def _dg(a, b):
    return lax.dot_general(a, b, (((1,), (1,)), ((), ())),
                           preferred_element_type=jnp.float32)


def _mlp_body(x_ref, w1_ref, b1_ref, w2_ref, b2_ref, h_ref):
    t = jnp.maximum(_dg(x_ref[...], w1_ref[...]) + b1_ref[...], 0.0)
    h_ref[...] = jnp.maximum(_dg(t, w2_ref[...]) + b2_ref[...], 0.0)


def _scale_body(degp_ref, h_ref, dis_ref, g1_ref):
    deg = degp_ref[0] + degp_ref[1]
    safe = jnp.where(deg > 0.0, deg, 1.0)
    dis = jnp.where(deg > 0.0, lax.rsqrt(safe), 0.0)
    dis_ref[...] = dis
    g1_ref[...] = dis * h_ref[...]


def _combine_body(sp_ref, h_ref, dis_ref, p_ref, g2_ref):
    s = sp_ref[0] + sp_ref[1]
    dis = dis_ref[...]
    p = h_ref[...] - dis * s
    p_ref[...] = p
    g2_ref[...] = dis * p


def _final_body(sp_ref, h_ref, p_ref, dis_ref, w3_ref, b3_ref,
                w4_ref, b4_ref, o_ref):
    f = h_ref.shape[1]
    q = p_ref[...] - dis_ref[...] * (sp_ref[0] + sp_ref[1])
    h = h_ref[...]
    p = p_ref[...]
    o0 = 3.0 * h - 3.0 * p + 0.75 * q
    o1 = 3.0 * p - 1.5 * q
    o2 = 0.75 * q
    w3 = w3_ref[...]
    z = (_dg(o0, w3[:, 0:f]) + _dg(o1, w3[:, f:2 * f])
         + _dg(o2, w3[:, 2 * f:3 * f]) + b3_ref[...])
    z = jnp.maximum(z, 0.0)
    o_ref[...] = _dg(z, w4_ref[...]) + b4_ref[...]


def _row_blocked_call(body, n_pad, bm, in_arrays, in_specs, n_out, f):
    out_specs = [pl.BlockSpec((bm, f), lambda i: (i, 0))
                 for _ in range(n_out)]
    out_shape = [jax.ShapeDtypeStruct((n_pad, f), jnp.float32)
                 for _ in range(n_out)]
    if n_out == 1:
        out_specs, out_shape = out_specs[0], out_shape[0]
    return pl.pallas_call(
        body,
        grid=(n_pad // bm,),
        in_specs=in_specs,
        out_specs=out_specs,
        out_shape=out_shape,
    )(*in_arrays)



def kernel(in_feat, edge_index, W1, b1, W2, b2, W3, b3, W4, b4):
    n, f = in_feat.shape
    e = edge_index.shape[1]
    nw = _NC * _NS
    bm = 1024
    n_pad = -(-(n + 1) // bm) * bm
    ch = -(-e // (nw * 128))
    e_pad = nw * ch * 128

    ei = edge_index.astype(jnp.int32)
    pad = e_pad - e
    row = jnp.concatenate([ei[0], jnp.full((pad,), n, jnp.int32)])
    col = jnp.concatenate([ei[1], jnp.full((pad,), n, jnp.int32)])
    row3 = row.reshape(nw, ch, 128)
    col3 = col.reshape(nw, ch, 128)

    x_pad = jnp.pad(in_feat, ((0, n_pad - n), (0, 0)))
    zeros2 = jnp.zeros((n_pad, f), jnp.float32)
    zeros1 = jnp.zeros((n_pad,), jnp.float32)
    b1r = b1.reshape(1, f)
    b2r = b2.reshape(1, f)
    b3r = b3.reshape(1, f)
    w4p = jnp.pad(W4, ((0, f - W4.shape[0]), (0, 0)))
    b4p = jnp.pad(b4, (0, f - b4.shape[0])).reshape(1, f)

    deg_k = _make_deg_kernel(n_pad, ch)
    spmm_k = _make_spmm_kernel(n_pad, ch, f)

    degp = deg_k(zeros1, row3)

    h = _row_blocked_call(
        _mlp_body, n_pad, bm,
        (x_pad, W1, b1r, W2, b2r),
        [pl.BlockSpec((bm, f), lambda i: (i, 0)),
         pl.BlockSpec((f, f), lambda i: (0, 0)),
         pl.BlockSpec((1, f), lambda i: (0, 0)),
         pl.BlockSpec((f, f), lambda i: (0, 0)),
         pl.BlockSpec((1, f), lambda i: (0, 0))],
        1, f)

    dis, g1 = pl.pallas_call(
        _scale_body,
        grid=(n_pad // bm,),
        in_specs=[pl.BlockSpec((_NC, bm, 1), lambda i: (0, i, 0)),
                  pl.BlockSpec((bm, f), lambda i: (i, 0))],
        out_specs=[pl.BlockSpec((bm, 1), lambda i: (i, 0)),
                   pl.BlockSpec((bm, f), lambda i: (i, 0))],
        out_shape=[jax.ShapeDtypeStruct((n_pad, 1), jnp.float32),
                   jax.ShapeDtypeStruct((n_pad, f), jnp.float32)],
    )(degp.reshape(_NC, n_pad, 1), h)

    s1 = spmm_k(g1, zeros2, col3, row3)

    p, g2 = pl.pallas_call(
        _combine_body,
        grid=(n_pad // bm,),
        in_specs=[pl.BlockSpec((_NC, bm, f), lambda i: (0, i, 0)),
                  pl.BlockSpec((bm, f), lambda i: (i, 0)),
                  pl.BlockSpec((bm, 1), lambda i: (i, 0))],
        out_specs=[pl.BlockSpec((bm, f), lambda i: (i, 0)),
                   pl.BlockSpec((bm, f), lambda i: (i, 0))],
        out_shape=[jax.ShapeDtypeStruct((n_pad, f), jnp.float32),
                   jax.ShapeDtypeStruct((n_pad, f), jnp.float32)],
    )(s1, h, dis)

    s2 = spmm_k(g2, zeros2, col3, row3)

    out = pl.pallas_call(
        _final_body,
        grid=(n_pad // bm,),
        in_specs=[pl.BlockSpec((_NC, bm, f), lambda i: (0, i, 0)),
                  pl.BlockSpec((bm, f), lambda i: (i, 0)),
                  pl.BlockSpec((bm, f), lambda i: (i, 0)),
                  pl.BlockSpec((bm, 1), lambda i: (i, 0)),
                  pl.BlockSpec((f, 3 * f), lambda i: (0, 0)),
                  pl.BlockSpec((1, f), lambda i: (0, 0)),
                  pl.BlockSpec((f, f), lambda i: (0, 0)),
                  pl.BlockSpec((1, f), lambda i: (0, 0))],
        out_specs=pl.BlockSpec((bm, f), lambda i: (i, 0)),
        out_shape=jax.ShapeDtypeStruct((n_pad, f), jnp.float32),
    )(s2, h, p, dis, W3, b3r, w4p, b4p)

    return out[:n, :W4.shape[0]]

# --- scband reference (transcript-rebuilt; emitter-appended) ---
"""Pipeline reference for scband-bwgnn-7138235646046 (READ-ONLY COPY).

The authoritative reference and input builder live on the scoring server;
editing this copy changes nothing except your own understanding.
"""

import jax, jax.numpy as jnp
import numpy as np

N = 10000
E = 320000
IN_FEATS = 128
H_FEATS = 128
NUM_CLASSES = 2
# Bernstein/beta polynomial coefficients for d=2 (ascending powers), precomputed from calculate_theta2(2)
THETAS = [[3.0, -3.0, 0.75], [0.0, 3.0, -1.5], [0.0, 0.0, 0.75]]

def setup_inputs(seed: int = 0):
    key = jax.random.key(seed)
    ks = jax.random.split(key, 10)
    in_feat = jax.random.normal(ks[0], (N, IN_FEATS), dtype=jnp.float32)
    edge_index = jax.random.randint(ks[1], (2, E), 0, N)
    def lin(kw, out_f, in_f):
        bound = 1.0 / np.sqrt(in_f)
        return jax.random.uniform(kw, (out_f, in_f), jnp.float32, -bound, bound)
    W1 = lin(ks[2], H_FEATS, IN_FEATS)
    b1 = jnp.zeros((H_FEATS,), jnp.float32)
    W2 = lin(ks[3], H_FEATS, H_FEATS)
    b2 = jnp.zeros((H_FEATS,), jnp.float32)
    W3 = lin(ks[4], H_FEATS, H_FEATS * 3)
    b3 = jnp.zeros((H_FEATS,), jnp.float32)
    W4 = lin(ks[5], NUM_CLASSES, H_FEATS)
    b4 = jnp.zeros((NUM_CLASSES,), jnp.float32)
    return {"in_feat": in_feat, "edge_index": edge_index, "W1": W1, "b1": b1, "W2": W2, "b2": b2, "W3": W3, "b3": b3, "W4": W4, "b4": b4}

def reference(in_feat, edge_index, W1, b1, W2, b2, W3, b3, W4, b4):
    n = in_feat.shape[0]
    row = edge_index[0]
    col = edge_index[1]
    # get_laplacian(normalization='sym'): L = I - D^{-1/2} A D^{-1/2}, deg from row scatter of ones
    deg = jax.ops.segment_sum(jnp.ones(row.shape[0], jnp.float32), row, num_segments=n)
    dis = jnp.where(deg > 0, jnp.power(jnp.where(deg > 0, deg, 1.0), -0.5), 0.0)
    lap_w = -dis[row] * dis[col]
    def lap_mm(feat):
        # sparse L @ feat: off-diagonal scatter-add plus identity (self-loop weight 1)
        return jax.ops.segment_sum(lap_w[:, None] * feat[col], row, num_segments=n) + feat
    h = jax.nn.relu(in_feat @ W1.T + b1)
    h = jax.nn.relu(h @ W2.T + b2)
    outs = []
    for theta in THETAS:
        feat = h
        acc = theta[0] * feat
        for k in range(1, len(theta)):
            feat = lap_mm(feat)
            acc = acc + theta[k] * feat
        outs.append(acc)
    h_final = jnp.concatenate(outs, axis=-1)
    h = jax.nn.relu(h_final @ W3.T + b3)
    return h @ W4.T + b4

if __name__ == "__main__":
    import jax
    _d = setup_inputs()
    print(jax.jit(kernel)(*tuple(_d.values())))

</pallas_src>

<mosaic_0001>
#map = affine_map<(d0, d1) -> (0, 0)>
#map1 = affine_map<(d0, d1) -> (0, 0, 0)>
module attributes {stable_mosaic.version = 14 : i64} {
  func.func @spmm_kernel(%arg0: i32, %arg1: i32, %arg2: memref<10240x128xf32, #tpu.memory_space<hbm>>, %arg3: memref<10240x128xf32, #tpu.memory_space<hbm>>, %arg4: memref<32x79x128xi32, #tpu.memory_space<hbm>>, %arg5: memref<32x79x128xi32, #tpu.memory_space<hbm>>, %arg6: memref<2x10240x128xf32, #tpu.memory_space<hbm>>, %arg7: memref<79x128xi32, #tpu.memory_space<vmem>>, %arg8: memref<79x128xi32, #tpu.memory_space<vmem>>, %arg9: memref<64x128xf32, #tpu.memory_space<vmem>>, %arg10: memref<64x128xf32, #tpu.memory_space<vmem>>, %arg11: memref<10240x128xf32, #tpu.memory_space<vmem_shared>>, %arg12: memref<!tpu.dma_semaphore, #tpu.memory_space<semaphore_mem>>, %arg13: memref<!tpu.dma_semaphore, #tpu.memory_space<semaphore_mem>>) attributes {dimension_semantics = [#tpu.dimension_semantics<core_parallel>, #tpu.dimension_semantics<subcore_parallel>], iteration_bounds = array<i64: 2, 16>, scalar_prefetch = 0 : i64, scratch_operands = 7 : i64, tpu.core_type = #tpu.core_type<sc_vector_subcore>, window_params = [{transform_indices = #map}, {transform_indices = #map}, {transform_indices = #map1}, {transform_indices = #map1}, {transform_indices = #map1}]} {
    %mul3A = arith.constant 2 : i32
    %mul3A_0 = arith.muli %arg1, %mul3A : i32
    %add3A = arith.addi %mul3A_0, %arg0 : i32
    %mul3A_1 = arith.constant 640 : i32
    %mul3A_2 = arith.muli %arg1, %mul3A_1 : i32
    %mul3A_3 = arith.constant 640 : i32
    %mul3A_4 = arith.muli %arg1, %mul3A_3 : i32
    "tpu.region"() ({
      %run_scoped3A = tpu.sem_alloc : memref<!tpu.dma_semaphore, #tpu.memory_space<semaphore_mem>>
      %dma_start3A_41 = arith.constant 0 : i32
      %dma_start3A_42 = tpu.memref_slice %arg11[%mul3A_4, %dma_start3A_41] : memref<10240x128xf32, #tpu.memory_space<vmem_shared>> -> memref<640x128xf32, #tpu.memory_space<vmem_shared>>
      %dma_start3A_43 = arith.constant 0 : i32
      %dma_start3A_44 = tpu.memref_slice %arg3[%mul3A_2, %dma_start3A_43] : memref<10240x128xf32, #tpu.memory_space<hbm>> -> memref<640x128xf32, #tpu.memory_space<hbm>>
      tpu.enqueue_dma source(%dma_start3A_44 : memref<640x128xf32, #tpu.memory_space<hbm>>) target(%dma_start3A_42 : memref<640x128xf32, #tpu.memory_space<vmem_shared>>) target_semaphore(%run_scoped3A : memref<!tpu.dma_semaphore, #tpu.memory_space<semaphore_mem>>)
      %dma_wait3A_45 = arith.constant 0 : i32
      %dma_wait3A_46 = tpu.memref_slice %arg11[%mul3A_4, %dma_wait3A_45] : memref<10240x128xf32, #tpu.memory_space<vmem_shared>> -> memref<640x128xf32, #tpu.memory_space<vmem_shared>>
      %dma_wait3A_47 = arith.constant 0 : i32
      %dma_wait3A_48 = tpu.memref_slice %arg3[%mul3A_2, %dma_wait3A_47] : memref<10240x128xf32, #tpu.memory_space<hbm>> -> memref<640x128xf32, #tpu.memory_space<hbm>>
      tpu.wait_dma2 semaphore(%run_scoped3A : memref<!tpu.dma_semaphore, #tpu.memory_space<semaphore_mem>>) src(%dma_wait3A_48 : memref<640x128xf32, #tpu.memory_space<hbm>>) dst(%dma_wait3A_46 : memref<640x128xf32, #tpu.memory_space<vmem_shared>>)
      tpu.yield
    }) : () -> ()
    "tpu.region"() ({
      %run_scoped3A = tpu.sem_alloc : memref<!tpu.dma_semaphore, #tpu.memory_space<semaphore_mem>>
      %dma_start3A_41 = arith.constant 0 : i32
      %dma_start3A_42 = arith.constant 0 : i32
      %dma_start3A_43 = tpu.memref_slice %arg4[%add3A, %dma_start3A_41, %dma_start3A_42] : memref<32x79x128xi32, #tpu.memory_space<hbm>> -> memref<1x79x128xi32, #tpu.memory_space<hbm>>
      %dma_start3A_44 = tpu.memref_squeeze %dma_start3A_43 : memref<1x79x128xi32, #tpu.memory_space<hbm>> -> memref<79x128xi32, #tpu.memory_space<hbm>>
      %dma_start3A_45 = arith.constant 0 : i32
      %dma_start3A_46 = arith.constant 0 : i32
      %dma_start3A_47 = tpu.memref_slice %arg4[%add3A, %dma_start3A_45, %dma_start3A_46] : memref<32x79x128xi32, #tpu.memory_space<hbm>> -> memref<1x79x128xi32, #tpu.memory_space<hbm>>
      %dma_start3A_48 = tpu.memref_squeeze %dma_start3A_47 : memref<1x79x128xi32, #tpu.memory_space<hbm>> -> memref<79x128xi32, #tpu.memory_space<hbm>>
      tpu.enqueue_dma source(%dma_start3A_48 : memref<79x128xi32, #tpu.memory_space<hbm>>) target(%arg7 : memref<79x128xi32, #tpu.memory_space<vmem>>) target_semaphore(%run_scoped3A : memref<!tpu.dma_semaphore, #tpu.memory_space<semaphore_mem>>)
      %dma_wait3A_49 = arith.constant 0 : i32
      %dma_wait3A_50 = arith.constant 0 : i32
      %dma_wait3A_51 = tpu.memref_slice %arg4[%add3A, %dma_wait3A_49, %dma_wait3A_50] : memref<32x79x128xi32, #tpu.memory_space<hbm>> -> memref<1x79x128xi32, #tpu.memory_space<hbm>>
      %dma_wait3A_52 = tpu.memref_squeeze %dma_wait3A_51 : memref<1x79x128xi32, #tpu.memory_space<hbm>> -> memref<79x128xi32, #tpu.memory_space<hbm>>
      %dma_wait3A_53 = arith.constant 0 : i32
      %dma_wait3A_54 = arith.constant 0 : i32
      %dma_wait3A_55 = tpu.memref_slice %arg4[%add3A, %dma_wait3A_53, %dma_wait3A_54] : memref<32x79x128xi32, #tpu.memory_space<hbm>> -> memref<1x79x128xi32, #tpu.memory_space<hbm>>
      %dma_wait3A_56 = tpu.memref_squeeze %dma_wait3A_55 : memref<1x79x128xi32, #tpu.memory_space<hbm>> -> memref<79x128xi32, #tpu.memory_space<hbm>>
      tpu.wait_dma2 semaphore(%run_scoped3A : memref<!tpu.dma_semaphore, #tpu.memory_space<semaphore_mem>>) src(%dma_wait3A_56 : memref<79x128xi32, #tpu.memory_space<hbm>>) dst(%arg7 : memref<79x128xi32, #tpu.memory_space<vmem>>)
      tpu.yield
    }) : () -> ()
    "tpu.region"() ({
      %run_scoped3A = tpu.sem_alloc : memref<!tpu.dma_semaphore, #tpu.memory_space<semaphore_mem>>
      %dma_start3A_41 = arith.constant 0 : i32
      %dma_start3A_42 = arith.constant 0 : i32
      %dma_start3A_43 = tpu.memref_slice %arg5[%add3A, %dma_start3A_41, %dma_start3A_42] : memref<32x79x128xi32, #tpu.memory_space<hbm>> -> memref<1x79x128xi32, #tpu.memory_space<hbm>>
      %dma_start3A_44 = tpu.memref_squeeze %dma_start3A_43 : memref<1x79x128xi32, #tpu.memory_space<hbm>> -> memref<79x128xi32, #tpu.memory_space<hbm>>
      %dma_start3A_45 = arith.constant 0 : i32
      %dma_start3A_46 = arith.constant 0 : i32
      %dma_start3A_47 = tpu.memref_slice %arg5[%add3A, %dma_start3A_45, %dma_start3A_46] : memref<32x79x128xi32, #tpu.memory_space<hbm>> -> memref<1x79x128xi32, #tpu.memory_space<hbm>>
      %dma_start3A_48 = tpu.memref_squeeze %dma_start3A_47 : memref<1x79x128xi32, #tpu.memory_space<hbm>> -> memref<79x128xi32, #tpu.memory_space<hbm>>
      tpu.enqueue_dma source(%dma_start3A_48 : memref<79x128xi32, #tpu.memory_space<hbm>>) target(%arg8 : memref<79x128xi32, #tpu.memory_space<vmem>>) target_semaphore(%run_scoped3A : memref<!tpu.dma_semaphore, #tpu.memory_space<semaphore_mem>>)
      %dma_wait3A_49 = arith.constant 0 : i32
      %dma_wait3A_50 = arith.constant 0 : i32
      %dma_wait3A_51 = tpu.memref_slice %arg5[%add3A, %dma_wait3A_49, %dma_wait3A_50] : memref<32x79x128xi32, #tpu.memory_space<hbm>> -> memref<1x79x128xi32, #tpu.memory_space<hbm>>
      %dma_wait3A_52 = tpu.memref_squeeze %dma_wait3A_51 : memref<1x79x128xi32, #tpu.memory_space<hbm>> -> memref<79x128xi32, #tpu.memory_space<hbm>>
      %dma_wait3A_53 = arith.constant 0 : i32
      %dma_wait3A_54 = arith.constant 0 : i32
      %dma_wait3A_55 = tpu.memref_slice %arg5[%add3A, %dma_wait3A_53, %dma_wait3A_54] : memref<32x79x128xi32, #tpu.memory_space<hbm>> -> memref<1x79x128xi32, #tpu.memory_space<hbm>>
      %dma_wait3A_56 = tpu.memref_squeeze %dma_wait3A_55 : memref<1x79x128xi32, #tpu.memory_space<hbm>> -> memref<79x128xi32, #tpu.memory_space<hbm>>
      tpu.wait_dma2 semaphore(%run_scoped3A : memref<!tpu.dma_semaphore, #tpu.memory_space<semaphore_mem>>) src(%dma_wait3A_56 : memref<79x128xi32, #tpu.memory_space<hbm>>) dst(%arg8 : memref<79x128xi32, #tpu.memory_space<vmem>>)
      tpu.yield
    }) : () -> ()
    %barrier3A = arith.constant 0 : index
    tpu.barrier barrier_id(%barrier3A)
    %dma_start3A = arith.constant 0 : i32
    %dma_start3A_5 = arith.constant 0 : i32
    %dma_start3A_6 = tpu.memref_slice %arg7[%dma_start3A, %dma_start3A_5] : memref<79x128xi32, #tpu.memory_space<vmem>> -> memref<1x64xi32, #tpu.memory_space<vmem>>
    %dma_start3A_7 = tpu.memref_squeeze %dma_start3A_6 : memref<1x64xi32, #tpu.memory_space<vmem>> -> memref<64xi32, #tpu.memory_space<vmem>>
    %dma_start3A_8 = arith.constant 0 : i32
    %dma_start3A_9 = arith.constant 0 : i32
    %dma_start3A_10 = tpu.memref_slice %arg2[%dma_start3A_8, %dma_start3A_9] : memref<10240x128xf32, #tpu.memory_space<hbm>> -> memref<10240x128xf32, #tpu.memory_space<hbm>>
    tpu.enqueue_indirect_dma source(%dma_start3A_10 : memref<10240x128xf32, #tpu.memory_space<hbm>>) target(%arg9 : memref<64x128xf32, #tpu.memory_space<vmem>>) offsets(%dma_start3A_7 : memref<64xi32, #tpu.memory_space<vmem>>) semaphore(%arg12 : memref<!tpu.dma_semaphore, #tpu.memory_space<semaphore_mem>>)
    %dma_start3A_11 = arith.constant 0 : i32
    %dma_start3A_12 = arith.constant 64 : i32
    %dma_start3A_13 = tpu.memref_slice %arg7[%dma_start3A_11, %dma_start3A_12] : memref<79x128xi32, #tpu.memory_space<vmem>> -> memref<1x64xi32, #tpu.memory_space<vmem>>
    %dma_start3A_14 = tpu.memref_squeeze %dma_start3A_13 : memref<1x64xi32, #tpu.memory_space<vmem>> -> memref<64xi32, #tpu.memory_space<vmem>>
    %dma_start3A_15 = arith.constant 0 : i32
    %dma_start3A_16 = arith.constant 0 : i32
    %dma_start3A_17 = tpu.memref_slice %arg2[%dma_start3A_15, %dma_start3A_16] : memref<10240x128xf32, #tpu.memory_space<hbm>> -> memref<10240x128xf32, #tpu.memory_space<hbm>>
    tpu.enqueue_indirect_dma source(%dma_start3A_17 : memref<10240x128xf32, #tpu.memory_space<hbm>>) target(%arg10 : memref<64x128xf32, #tpu.memory_space<vmem>>) offsets(%dma_start3A_14 : memref<64xi32, #tpu.memory_space<vmem>>) semaphore(%arg13 : memref<!tpu.dma_semaphore, #tpu.memory_space<semaphore_mem>>)
    %scan3A = arith.constant 0 : i32
    %scan3A_18 = arith.constant 0 : i32
    %scan3A_19 = arith.constant 79 : i32
    %scan3A_20 = arith.addi %scan3A_18, %scan3A_19 : i32
    %scan3A_21 = arith.constant 1 : i32
    scf.for %scan3A_41 = %scan3A_18 to %scan3A_20 step %scan3A_21  : i32 {
      %add3A_42 = arith.constant 1 : i32
      %add3A_43 = arith.addi %scan3A_41, %add3A_42 : i32
      %min3A = arith.constant 78 : i32
      %min3A_44 = arith.minsi %add3A_43, %min3A : i32
      %dma_wait3A_45 = arith.constant 0 : i32
      %dma_wait3A_46 = tpu.memref_slice %arg7[%scan3A_41, %dma_wait3A_45] : memref<79x128xi32, #tpu.memory_space<vmem>> -> memref<1x64xi32, #tpu.memory_space<vmem>>
      %dma_wait3A_47 = tpu.memref_squeeze %dma_wait3A_46 : memref<1x64xi32, #tpu.memory_space<vmem>> -> memref<64xi32, #tpu.memory_space<vmem>>
      %dma_wait3A_48 = arith.constant 0 : i32
      %dma_wait3A_49 = arith.constant 0 : i32
      %dma_wait3A_50 = tpu.memref_slice %arg2[%dma_wait3A_48, %dma_wait3A_49] : memref<10240x128xf32, #tpu.memory_space<hbm>> -> memref<10240x128xf32, #tpu.memory_space<hbm>>
      tpu.wait_indirect_dma semaphore(%arg12 : memref<!tpu.dma_semaphore, #tpu.memory_space<semaphore_mem>>) src(%dma_wait3A_50 : memref<10240x128xf32, #tpu.memory_space<hbm>>) dst(%arg9 : memref<64x128xf32, #tpu.memory_space<vmem>>)
      "tpu.region"() ({
        %run_scoped3A = tpu.sem_alloc : memref<!tpu.dma_semaphore, #tpu.memory_space<semaphore_mem>>
        %dma_start3A_69 = arith.constant 0 : i32
        %dma_start3A_70 = tpu.memref_slice %arg8[%scan3A_41, %dma_start3A_69] : memref<79x128xi32, #tpu.memory_space<vmem>> -> memref<1x64xi32, #tpu.memory_space<vmem>>
        %dma_start3A_71 = tpu.memref_squeeze %dma_start3A_70 : memref<1x64xi32, #tpu.memory_space<vmem>> -> memref<64xi32, #tpu.memory_space<vmem>>
        %dma_start3A_72 = arith.constant 0 : i32
        %dma_start3A_73 = arith.constant 0 : i32
        %dma_start3A_74 = tpu.memref_slice %arg11[%dma_start3A_72, %dma_start3A_73] : memref<10240x128xf32, #tpu.memory_space<vmem_shared>> -> memref<10240x128xf32, #tpu.memory_space<vmem_shared>>
        tpu.enqueue_indirect_dma source(%arg9 : memref<64x128xf32, #tpu.memory_space<vmem>>) target(%dma_start3A_74 : memref<10240x128xf32, #tpu.memory_space<vmem_shared>>) offsets(%dma_start3A_71 : memref<64xi32, #tpu.memory_space<vmem>>) semaphore(%run_scoped3A : memref<!tpu.dma_semaphore, #tpu.memory_space<semaphore_mem>>) {add = true}
        %dma_wait3A_75 = arith.constant 0 : i32
        %dma_wait3A_76 = tpu.memref_slice %arg8[%scan3A_41, %dma_wait3A_75] : memref<79x128xi32, #tpu.memory_space<vmem>> -> memref<1x64xi32, #tpu.memory_space<vmem>>
        %dma_wait3A_77 = tpu.memref_squeeze %dma_wait3A_76 : memref<1x64xi32, #tpu.memory_space<vmem>> -> memref<64xi32, #tpu.memory_space<vmem>>
        %dma_wait3A_78 = arith.constant 0 : i32
        %dma_wait3A_79 = arith.constant 0 : i32
        %dma_wait3A_80 = tpu.memref_slice %arg11[%dma_wait3A_78, %dma_wait3A_79] : memref<10240x128xf32, #tpu.memory_space<vmem_shared>> -> memref<10240x128xf32, #tpu.memory_space<vmem_shared>>
        tpu.wait_indirect_dma semaphore(%run_scoped3A : memref<!tpu.dma_semaphore, #tpu.memory_space<semaphore_mem>>) src(%arg9 : memref<64x128xf32, #tpu.memory_space<vmem>>) dst(%dma_wait3A_80 : memref<10240x128xf32, #tpu.memory_space<vmem_shared>>)
        tpu.yield
      }) : () -> ()
      %dma_start3A_51 = arith.constant 0 : i32
      %dma_start3A_52 = tpu.memref_slice %arg7[%min3A_44, %dma_start3A_51] : memref<79x128xi32, #tpu.memory_space<vmem>> -> memref<1x64xi32, #tpu.memory_space<vmem>>
      %dma_start3A_53 = tpu.memref_squeeze %dma_start3A_52 : memref<1x64xi32, #tpu.memory_space<vmem>> -> memref<64xi32, #tpu.memory_space<vmem>>
      %dma_start3A_54 = arith.constant 0 : i32
      %dma_start3A_55 = arith.constant 0 : i32
      %dma_start3A_56 = tpu.memref_slice %arg2[%dma_start3A_54, %dma_start3A_55] : memref<10240x128xf32, #tpu.memory_space<hbm>> -> memref<10240x128xf32, #tpu.memory_space<hbm>>
      tpu.enqueue_indirect_dma source(%dma_start3A_56 : memref<10240x128xf32, #tpu.memory_space<hbm>>) target(%arg9 : memref<64x128xf32, #tpu.memory_space<vmem>>) offsets(%dma_start3A_53 : memref<64xi32, #tpu.memory_space<vmem>>) semaphore(%arg12 : memref<!tpu.dma_semaphore, #tpu.memory_space<semaphore_mem>>)
      %dma_wait3A_57 = arith.constant 64 : i32
      %dma_wait3A_58 = tpu.memref_slice %arg7[%scan3A_41, %dma_wait3A_57] : memref<79x128xi32, #tpu.memory_space<vmem>> -> memref<1x64xi32, #tpu.memory_space<vmem>>
      %dma_wait3A_59 = tpu.memref_squeeze %dma_wait3A_58 : memref<1x64xi32, #tpu.memory_space<vmem>> -> memref<64xi32, #tpu.memory_space<vmem>>
      %dma_wait3A_60 = arith.constant 0 : i32
      %dma_wait3A_61 = arith.constant 0 : i32
      %dma_wait3A_62 = tpu.memref_slice %arg2[%dma_wait3A_60, %dma_wait3A_61] : memref<10240x128xf32, #tpu.memory_space<hbm>> -> memref<10240x128xf32, #tpu.memory_space<hbm>>
      tpu.wait_indirect_dma semaphore(%arg13 : memref<!tpu.dma_semaphore, #tpu.memory_space<semaphore_mem>>) src(%dma_wait3A_62 : memref<10240x128xf32, #tpu.memory_space<hbm>>) dst(%arg10 : memref<64x128xf32, #tpu.memory_space<vmem>>)
      "tpu.region"() ({
        %run_scoped3A = tpu.sem_alloc : memref<!tpu.dma_semaphore, #tpu.memory_space<semaphore_mem>>
        %dma_start3A_69 = arith.constant 64 : i32
        %dma_start3A_70 = tpu.memref_slice %arg8[%scan3A_41, %dma_start3A_69] : memref<79x128xi32, #tpu.memory_space<vmem>> -> memref<1x64xi32, #tpu.memory_space<vmem>>
        %dma_start3A_71 = tpu.memref_squeeze %dma_start3A_70 : memref<1x64xi32, #tpu.memory_space<vmem>> -> memref<64xi32, #tpu.memory_space<vmem>>
        %dma_start3A_72 = arith.constant 0 : i32
        %dma_start3A_73 = arith.constant 0 : i32
        %dma_start3A_74 = tpu.memref_slice %arg11[%dma_start3A_72, %dma_start3A_73] : memref<10240x128xf32, #tpu.memory_space<vmem_shared>> -> memref<10240x128xf32, #tpu.memory_space<vmem_shared>>
        tpu.enqueue_indirect_dma source(%arg10 : memref<64x128xf32, #tpu.memory_space<vmem>>) target(%dma_start3A_74 : memref<10240x128xf32, #tpu.memory_space<vmem_shared>>) offsets(%dma_start3A_71 : memref<64xi32, #tpu.memory_space<vmem>>) semaphore(%run_scoped3A : memref<!tpu.dma_semaphore, #tpu.memory_space<semaphore_mem>>) {add = true}
        %dma_wait3A_75 = arith.constant 64 : i32
        %dma_wait3A_76 = tpu.memref_slice %arg8[%scan3A_41, %dma_wait3A_75] : memref<79x128xi32, #tpu.memory_space<vmem>> -> memref<1x64xi32, #tpu.memory_space<vmem>>
        %dma_wait3A_77 = tpu.memref_squeeze %dma_wait3A_76 : memref<1x64xi32, #tpu.memory_space<vmem>> -> memref<64xi32, #tpu.memory_space<vmem>>
        %dma_wait3A_78 = arith.constant 0 : i32
        %dma_wait3A_79 = arith.constant 0 : i32
        %dma_wait3A_80 = tpu.memref_slice %arg11[%dma_wait3A_78, %dma_wait3A_79] : memref<10240x128xf32, #tpu.memory_space<vmem_shared>> -> memref<10240x128xf32, #tpu.memory_space<vmem_shared>>
        tpu.wait_indirect_dma semaphore(%run_scoped3A : memref<!tpu.dma_semaphore, #tpu.memory_space<semaphore_mem>>) src(%arg10 : memref<64x128xf32, #tpu.memory_space<vmem>>) dst(%dma_wait3A_80 : memref<10240x128xf32, #tpu.memory_space<vmem_shared>>)
        tpu.yield
      }) : () -> ()
      %dma_start3A_63 = arith.constant 64 : i32
      %dma_start3A_64 = tpu.memref_slice %arg7[%min3A_44, %dma_start3A_63] : memref<79x128xi32, #tpu.memory_space<vmem>> -> memref<1x64xi32, #tpu.memory_space<vmem>>
      %dma_start3A_65 = tpu.memref_squeeze %dma_start3A_64 : memref<1x64xi32, #tpu.memory_space<vmem>> -> memref<64xi32, #tpu.memory_space<vmem>>
      %dma_start3A_66 = arith.constant 0 : i32
      %dma_start3A_67 = arith.constant 0 : i32
      %dma_start3A_68 = tpu.memref_slice %arg2[%dma_start3A_66, %dma_start3A_67] : memref<10240x128xf32, #tpu.memory_space<hbm>> -> memref<10240x128xf32, #tpu.memory_space<hbm>>
      tpu.enqueue_indirect_dma source(%dma_start3A_68 : memref<10240x128xf32, #tpu.memory_space<hbm>>) target(%arg10 : memref<64x128xf32, #tpu.memory_space<vmem>>) offsets(%dma_start3A_65 : memref<64xi32, #tpu.memory_space<vmem>>) semaphore(%arg13 : memref<!tpu.dma_semaphore, #tpu.memory_space<semaphore_mem>>)
    }
    %scan3A_22 = arith.constant 79 : i32
    %dma_wait3A = arith.constant 0 : i32
    %dma_wait3A_23 = arith.constant 0 : i32
    %dma_wait3A_24 = tpu.memref_slice %arg7[%dma_wait3A, %dma_wait3A_23] : memref<79x128xi32, #tpu.memory_space<vmem>> -> memref<1x64xi32, #tpu.memory_space<vmem>>
    %dma_wait3A_25 = tpu.memref_squeeze %dma_wait3A_24 : memref<1x64xi32, #tpu.memory_space<vmem>> -> memref<64xi32, #tpu.memory_space<vmem>>
    %dma_wait3A_26 = arith.constant 0 : i32
    %dma_wait3A_27 = arith.constant 0 : i32
    %dma_wait3A_28 = tpu.memref_slice %arg2[%dma_wait3A_26, %dma_wait3A_27] : memref<10240x128xf32, #tpu.memory_space<hbm>> -> memref<10240x128xf32, #tpu.memory_space<hbm>>
    tpu.wait_indirect_dma semaphore(%arg12 : memref<!tpu.dma_semaphore, #tpu.memory_space<semaphore_mem>>) src(%dma_wait3A_28 : memref<10240x128xf32, #tpu.memory_space<hbm>>) dst(%arg9 : memref<64x128xf32, #tpu.memory_space<vmem>>)
    %dma_wait3A_29 = arith.constant 0 : i32
    %dma_wait3A_30 = arith.constant 64 : i32
    %dma_wait3A_31 = tpu.memref_slice %arg7[%dma_wait3A_29, %dma_wait3A_30] : memref<79x128xi32, #tpu.memory_space<vmem>> -> memref<1x64xi32, #tpu.memory_space<vmem>>
    %dma_wait3A_32 = tpu.memref_squeeze %dma_wait3A_31 : memref<1x64xi32, #tpu.memory_space<vmem>> -> memref<64xi32, #tpu.memory_space<vmem>>
    %dma_wait3A_33 = arith.constant 0 : i32
    %dma_wait3A_34 = arith.constant 0 : i32
    %dma_wait3A_35 = tpu.memref_slice %arg2[%dma_wait3A_33, %dma_wait3A_34] : memref<10240x128xf32, #tpu.memory_space<hbm>> -> memref<10240x128xf32, #tpu.memory_space<hbm>>
    tpu.wait_indirect_dma semaphore(%arg13 : memref<!tpu.dma_semaphore, #tpu.memory_space<semaphore_mem>>) src(%dma_wait3A_35 : memref<10240x128xf32, #tpu.memory_space<hbm>>) dst(%arg10 : memref<64x128xf32, #tpu.memory_space<vmem>>)
    %barrier3A_36 = arith.constant 0 : index
    tpu.barrier barrier_id(%barrier3A_36)
    %mul3A_37 = arith.constant 640 : i32
    %mul3A_38 = arith.muli %arg1, %mul3A_37 : i32
    %mul3A_39 = arith.constant 640 : i32
    %mul3A_40 = arith.muli %arg1, %mul3A_39 : i32
    "tpu.region"() ({
      %run_scoped3A = tpu.sem_alloc : memref<!tpu.dma_semaphore, #tpu.memory_space<semaphore_mem>>
      %dma_start3A_41 = arith.constant 0 : i32
      %dma_start3A_42 = tpu.memref_slice %arg6[%arg0, %mul3A_40, %dma_start3A_41] : memref<2x10240x128xf32, #tpu.memory_space<hbm>> -> memref<1x640x128xf32, #tpu.memory_space<hbm>>
      %dma_start3A_43 = tpu.memref_squeeze %dma_start3A_42 : memref<1x640x128xf32, #tpu.memory_space<hbm>> -> memref<640x128xf32, #tpu.memory_space<hbm>>
      %dma_start3A_44 = arith.constant 0 : i32
      %dma_start3A_45 = tpu.memref_slice %arg11[%mul3A_38, %dma_start3A_44] : memref<10240x128xf32, #tpu.memory_space<vmem_shared>> -> memref<640x128xf32, #tpu.memory_space<vmem_shared>>
      tpu.enqueue_dma source(%dma_start3A_45 : memref<640x128xf32, #tpu.memory_space<vmem_shared>>) target(%dma_start3A_43 : memref<640x128xf32, #tpu.memory_space<hbm>>) target_semaphore(%run_scoped3A : memref<!tpu.dma_semaphore, #tpu.memory_space<semaphore_mem>>)
      %dma_wait3A_46 = arith.constant 0 : i32
      %dma_wait3A_47 = tpu.memref_slice %arg6[%arg0, %mul3A_40, %dma_wait3A_46] : memref<2x10240x128xf32, #tpu.memory_space<hbm>> -> memref<1x640x128xf32, #tpu.memory_space<hbm>>
      %dma_wait3A_48 = tpu.memref_squeeze %dma_wait3A_47 : memref<1x640x128xf32, #tpu.memory_space<hbm>> -> memref<640x128xf32, #tpu.memory_space<hbm>>
      %dma_wait3A_49 = arith.constant 0 : i32
      %dma_wait3A_50 = tpu.memref_slice %arg11[%mul3A_38, %dma_wait3A_49] : memref<10240x128xf32, #tpu.memory_space<vmem_shared>> -> memref<640x128xf32, #tpu.memory_space<vmem_shared>>
      tpu.wait_dma2 semaphore(%run_scoped3A : memref<!tpu.dma_semaphore, #tpu.memory_space<semaphore_mem>>) src(%dma_wait3A_50 : memref<640x128xf32, #tpu.memory_space<vmem_shared>>) dst(%dma_wait3A_48 : memref<640x128xf32, #tpu.memory_space<hbm>>)
      tpu.yield
    }) : () -> ()
    return
  }
}

#map = affine_map<(d0, d1) -> (0)>
#map1 = affine_map<(d0, d1) -> (0, 0, 0)>
#map2 = affine_map<(d0, d1) -> (0, 0)>
module attributes {stable_mosaic.version = 14 : i64} {
  func.func @deg_kernel(%arg0: i32, %arg1: i32, %arg2: memref<10240xf32, #tpu.memory_space<hbm>>, %arg3: memref<32x79x128xi32, #tpu.memory_space<hbm>>, %arg4: memref<2x10240xf32, #tpu.memory_space<hbm>>, %arg5: memref<79x128xi32, #tpu.memory_space<vmem>>, %arg6: memref<128xf32, #tpu.memory_space<vmem>>, %arg7: memref<10240xf32, #tpu.memory_space<vmem_shared>>) attributes {dimension_semantics = [#tpu.dimension_semantics<core_parallel>, #tpu.dimension_semantics<subcore_parallel>], iteration_bounds = array<i64: 2, 16>, scalar_prefetch = 0 : i64, scratch_operands = 3 : i64, tpu.core_type = #tpu.core_type<sc_vector_subcore>, window_params = [{transform_indices = #map}, {transform_indices = #map1}, {transform_indices = #map2}]} {
    %mul3A = arith.constant 2 : i32
    %mul3A_0 = arith.muli %arg1, %mul3A : i32
    %add3A = arith.addi %mul3A_0, %arg0 : i32
    %mul3A_1 = arith.constant 640 : i32
    %mul3A_2 = arith.muli %arg1, %mul3A_1 : i32
    %mul3A_3 = arith.constant 640 : i32
    %mul3A_4 = arith.muli %arg1, %mul3A_3 : i32
    "tpu.region"() ({
      %run_scoped3A = tpu.sem_alloc : memref<!tpu.dma_semaphore, #tpu.memory_space<semaphore_mem>>
      %dma_start3A = tpu.memref_slice %arg7[%mul3A_4] : memref<10240xf32, #tpu.memory_space<vmem_shared>> -> memref<640xf32, #tpu.memory_space<vmem_shared>>
      %dma_start3A_61 = tpu.memref_slice %arg2[%mul3A_2] : memref<10240xf32, #tpu.memory_space<hbm>> -> memref<640xf32, #tpu.memory_space<hbm>>
      tpu.enqueue_dma source(%dma_start3A_61 : memref<640xf32, #tpu.memory_space<hbm>>) target(%dma_start3A : memref<640xf32, #tpu.memory_space<vmem_shared>>) target_semaphore(%run_scoped3A : memref<!tpu.dma_semaphore, #tpu.memory_space<semaphore_mem>>)
      %dma_wait3A = tpu.memref_slice %arg7[%mul3A_4] : memref<10240xf32, #tpu.memory_space<vmem_shared>> -> memref<640xf32, #tpu.memory_space<vmem_shared>>
      %dma_wait3A_62 = tpu.memref_slice %arg2[%mul3A_2] : memref<10240xf32, #tpu.memory_space<hbm>> -> memref<640xf32, #tpu.memory_space<hbm>>
      tpu.wait_dma2 semaphore(%run_scoped3A : memref<!tpu.dma_semaphore, #tpu.memory_space<semaphore_mem>>) src(%dma_wait3A_62 : memref<640xf32, #tpu.memory_space<hbm>>) dst(%dma_wait3A : memref<640xf32, #tpu.memory_space<vmem_shared>>)
      tpu.yield
    }) : () -> ()
    "tpu.region"() ({
      %run_scoped3A = tpu.sem_alloc : memref<!tpu.dma_semaphore, #tpu.memory_space<semaphore_mem>>
      %dma_start3A = arith.constant 0 : i32
      %dma_start3A_61 = arith.constant 0 : i32
      %dma_start3A_62 = tpu.memref_slice %arg3[%add3A, %dma_start3A, %dma_start3A_61] : memref<32x79x128xi32, #tpu.memory_space<hbm>> -> memref<1x79x128xi32, #tpu.memory_space<hbm>>
      %dma_start3A_63 = tpu.memref_squeeze %dma_start3A_62 : memref<1x79x128xi32, #tpu.memory_space<hbm>> -> memref<79x128xi32, #tpu.memory_space<hbm>>
      %dma_start3A_64 = arith.constant 0 : i32
      %dma_start3A_65 = arith.constant 0 : i32
      %dma_start3A_66 = tpu.memref_slice %arg3[%add3A, %dma_start3A_64, %dma_start3A_65] : memref<32x79x128xi32, #tpu.memory_space<hbm>> -> memref<1x79x128xi32, #tpu.memory_space<hbm>>
      %dma_start3A_67 = tpu.memref_squeeze %dma_start3A_66 : memref<1x79x128xi32, #tpu.memory_space<hbm>> -> memref<79x128xi32, #tpu.memory_space<hbm>>
      tpu.enqueue_dma source(%dma_start3A_67 : memref<79x128xi32, #tpu.memory_space<hbm>>) target(%arg5 : memref<79x128xi32, #tpu.memory_space<vmem>>) target_semaphore(%run_scoped3A : memref<!tpu.dma_semaphore, #tpu.memory_space<semaphore_mem>>)
      %dma_wait3A = arith.constant 0 : i32
      %dma_wait3A_68 = arith.constant 0 : i32
      %dma_wait3A_69 = tpu.memref_slice %arg3[%add3A, %dma_wait3A, %dma_wait3A_68] : memref<32x79x128xi32, #tpu.memory_space<hbm>> -> memref<1x79x128xi32, #tpu.memory_space<hbm>>
      %dma_wait3A_70 = tpu.memref_squeeze %dma_wait3A_69 : memref<1x79x128xi32, #tpu.memory_space<hbm>> -> memref<79x128xi32, #tpu.memory_space<hbm>>
      %dma_wait3A_71 = arith.constant 0 : i32
      %dma_wait3A_72 = arith.constant 0 : i32
      %dma_wait3A_73 = tpu.memref_slice %arg3[%add3A, %dma_wait3A_71, %dma_wait3A_72] : memref<32x79x128xi32, #tpu.memory_space<hbm>> -> memref<1x79x128xi32, #tpu.memory_space<hbm>>
      %dma_wait3A_74 = tpu.memref_squeeze %dma_wait3A_73 : memref<1x79x128xi32, #tpu.memory_space<hbm>> -> memref<79x128xi32, #tpu.memory_space<hbm>>
      tpu.wait_dma2 semaphore(%run_scoped3A : memref<!tpu.dma_semaphore, #tpu.memory_space<semaphore_mem>>) src(%dma_wait3A_74 : memref<79x128xi32, #tpu.memory_space<hbm>>) dst(%arg5 : memref<79x128xi32, #tpu.memory_space<vmem>>)
      tpu.yield
    }) : () -> ()
    %broadcast_in_dim3A = arith.constant 1.000000e+00 : f32
    %broadcast_in_dim3A_5 = vector.broadcast %broadcast_in_dim3A : f32 to vector<16xf32>
    %swap3A = arith.constant 0 : index
    %swap3A_6 = tpu.vector_load %arg6[%swap3A] {strides = array<i32>} : memref<128xf32, #tpu.memory_space<vmem>>, vector<16xf32>,
    %swap3A_7 = vector.shape_cast %swap3A_6 : vector<16xf32> to vector<16xf32>
    %swap3A_8 = vector.shape_cast %broadcast_in_dim3A_5 : vector<16xf32> to vector<16xf32>
    tpu.vector_store %arg6[%swap3A], %swap3A_8 {strides = array<i32>} : memref<128xf32, #tpu.memory_space<vmem>>, vector<16xf32>,
    %broadcast_in_dim3A_9 = arith.constant 1.000000e+00 : f32
    %broadcast_in_dim3A_10 = vector.broadcast %broadcast_in_dim3A_9 : f32 to vector<16xf32>
    %swap3A_11 = arith.constant 16 : index
    %swap3A_12 = tpu.vector_load %arg6[%swap3A_11] {strides = array<i32>} : memref<128xf32, #tpu.memory_space<vmem>>, vector<16xf32>,
    %swap3A_13 = vector.shape_cast %swap3A_12 : vector<16xf32> to vector<16xf32>
    %swap3A_14 = vector.shape_cast %broadcast_in_dim3A_10 : vector<16xf32> to vector<16xf32>
    tpu.vector_store %arg6[%swap3A_11], %swap3A_14 {strides = array<i32>} : memref<128xf32, #tpu.memory_space<vmem>>, vector<16xf32>,
    %broadcast_in_dim3A_15 = arith.constant 1.000000e+00 : f32
    %broadcast_in_dim3A_16 = vector.broadcast %broadcast_in_dim3A_15 : f32 to vector<16xf32>
    %swap3A_17 = arith.constant 32 : index
    %swap3A_18 = tpu.vector_load %arg6[%swap3A_17] {strides = array<i32>} : memref<128xf32, #tpu.memory_space<vmem>>, vector<16xf32>,
    %swap3A_19 = vector.shape_cast %swap3A_18 : vector<16xf32> to vector<16xf32>
    %swap3A_20 = vector.shape_cast %broadcast_in_dim3A_16 : vector<16xf32> to vector<16xf32>
    tpu.vector_store %arg6[%swap3A_17], %swap3A_20 {strides = array<i32>} : memref<128xf32, #tpu.memory_space<vmem>>, vector<16xf32>,
    %broadcast_in_dim3A_21 = arith.constant 1.000000e+00 : f32
    %broadcast_in_dim3A_22 = vector.broadcast %broadcast_in_dim3A_21 : f32 to vector<16xf32>
    %swap3A_23 = arith.constant 48 : index
    %swap3A_24 = tpu.vector_load %arg6[%swap3A_23] {strides = array<i32>} : memref<128xf32, #tpu.memory_space<vmem>>, vector<16xf32>,
    %swap3A_25 = vector.shape_cast %swap3A_24 : vector<16xf32> to vector<16xf32>
    %swap3A_26 = vector.shape_cast %broadcast_in_dim3A_22 : vector<16xf32> to vector<16xf32>
    tpu.vector_store %arg6[%swap3A_23], %swap3A_26 {strides = array<i32>} : memref<128xf32, #tpu.memory_space<vmem>>, vector<16xf32>,
    %broadcast_in_dim3A_27 = arith.constant 1.000000e+00 : f32
    %broadcast_in_dim3A_28 = vector.broadcast %broadcast_in_dim3A_27 : f32 to vector<16xf32>
    %swap3A_29 = arith.constant 64 : index
    %swap3A_30 = tpu.vector_load %arg6[%swap3A_29] {strides = array<i32>} : memref<128xf32, #tpu.memory_space<vmem>>, vector<16xf32>,
    %swap3A_31 = vector.shape_cast %swap3A_30 : vector<16xf32> to vector<16xf32>
    %swap3A_32 = vector.shape_cast %broadcast_in_dim3A_28 : vector<16xf32> to vector<16xf32>
    tpu.vector_store %arg6[%swap3A_29], %swap3A_32 {strides = array<i32>} : memref<128xf32, #tpu.memory_space<vmem>>, vector<16xf32>,
    %broadcast_in_dim3A_33 = arith.constant 1.000000e+00 : f32
    %broadcast_in_dim3A_34 = vector.broadcast %broadcast_in_dim3A_33 : f32 to vector<16xf32>
    %swap3A_35 = arith.constant 80 : index
    %swap3A_36 = tpu.vector_load %arg6[%swap3A_35] {strides = array<i32>} : memref<128xf32, #tpu.memory_space<vmem>>, vector<16xf32>,
    %swap3A_37 = vector.shape_cast %swap3A_36 : vector<16xf32> to vector<16xf32>
    %swap3A_38 = vector.shape_cast %broadcast_in_dim3A_34 : vector<16xf32> to vector<16xf32>
    tpu.vector_store %arg6[%swap3A_35], %swap3A_38 {strides = array<i32>} : memref<128xf32, #tpu.memory_space<vmem>>, vector<16xf32>,
    %broadcast_in_dim3A_39 = arith.constant 1.000000e+00 : f32
    %broadcast_in_dim3A_40 = vector.broadcast %broadcast_in_dim3A_39 : f32 to vector<16xf32>
    %swap3A_41 = arith.constant 96 : index
    %swap3A_42 = tpu.vector_load %arg6[%swap3A_41] {strides = array<i32>} : memref<128xf32, #tpu.memory_space<vmem>>, vector<16xf32>,
    %swap3A_43 = vector.shape_cast %swap3A_42 : vector<16xf32> to vector<16xf32>
    %swap3A_44 = vector.shape_cast %broadcast_in_dim3A_40 : vector<16xf32> to vector<16xf32>
    tpu.vector_store %arg6[%swap3A_41], %swap3A_44 {strides = array<i32>} : memref<128xf32, #tpu.memory_space<vmem>>, vector<16xf32>,
    %broadcast_in_dim3A_45 = arith.constant 1.000000e+00 : f32
    %broadcast_in_dim3A_46 = vector.broadcast %broadcast_in_dim3A_45 : f32 to vector<16xf32>
    %swap3A_47 = arith.constant 112 : index
    %swap3A_48 = tpu.vector_load %arg6[%swap3A_47] {strides = array<i32>} : memref<128xf32, #tpu.memory_space<vmem>>, vector<16xf32>,
    %swap3A_49 = vector.shape_cast %swap3A_48 : vector<16xf32> to vector<16xf32>
    %swap3A_50 = vector.shape_cast %broadcast_in_dim3A_46 : vector<16xf32> to vector<16xf32>
    tpu.vector_store %arg6[%swap3A_47], %swap3A_50 {strides = array<i32>} : memref<128xf32, #tpu.memory_space<vmem>>, vector<16xf32>,
    %barrier3A = arith.constant 0 : index
    tpu.barrier barrier_id(%barrier3A)
    %scan3A = arith.constant 0 : i32
    %scan3A_51 = arith.constant 0 : i32
    %scan3A_52 = arith.constant 79 : i32
    %scan3A_53 = arith.addi %scan3A_51, %scan3A_52 : i32
    %scan3A_54 = arith.constant 1 : i32
    scf.for %scan3A_61 = %scan3A_51 to %scan3A_53 step %scan3A_54  : i32 {
      "tpu.region"() ({
        %run_scoped3A = tpu.sem_alloc : memref<!tpu.dma_semaphore, #tpu.memory_space<semaphore_mem>>
        %dma_start3A = arith.constant 0 : i32
        %dma_start3A_62 = tpu.memref_slice %arg5[%scan3A_61, %dma_start3A] : memref<79x128xi32, #tpu.memory_space<vmem>> -> memref<1x128xi32, #tpu.memory_space<vmem>>
        %dma_start3A_63 = tpu.memref_squeeze %dma_start3A_62 : memref<1x128xi32, #tpu.memory_space<vmem>> -> memref<128xi32, #tpu.memory_space<vmem>>
        %dma_start3A_64 = arith.constant 0 : i32
        %dma_start3A_65 = tpu.memref_slice %arg7[%dma_start3A_64] : memref<10240xf32, #tpu.memory_space<vmem_shared>> -> memref<10240xf32, #tpu.memory_space<vmem_shared>>
        tpu.enqueue_indirect_dma source(%arg6 : memref<128xf32, #tpu.memory_space<vmem>>) target(%dma_start3A_65 : memref<10240xf32, #tpu.memory_space<vmem_shared>>) offsets(%dma_start3A_63 : memref<128xi32, #tpu.memory_space<vmem>>) semaphore(%run_scoped3A : memref<!tpu.dma_semaphore, #tpu.memory_space<semaphore_mem>>) {add = true}
        %dma_wait3A = arith.constant 0 : i32
        %dma_wait3A_66 = tpu.memref_slice %arg5[%scan3A_61, %dma_wait3A] : memref<79x128xi32, #tpu.memory_space<vmem>> -> memref<1x128xi32, #tpu.memory_space<vmem>>
        %dma_wait3A_67 = tpu.memref_squeeze %dma_wait3A_66 : memref<1x128xi32, #tpu.memory_space<vmem>> -> memref<128xi32, #tpu.memory_space<vmem>>
        %dma_wait3A_68 = arith.constant 0 : i32
        %dma_wait3A_69 = tpu.memref_slice %arg7[%dma_wait3A_68] : memref<10240xf32, #tpu.memory_space<vmem_shared>> -> memref<10240xf32, #tpu.memory_space<vmem_shared>>
        tpu.wait_indirect_dma semaphore(%run_scoped3A : memref<!tpu.dma_semaphore, #tpu.memory_space<semaphore_mem>>) src(%arg6 : memref<128xf32, #tpu.memory_space<vmem>>) dst(%dma_wait3A_69 : memref<10240xf32, #tpu.memory_space<vmem_shared>>)
        tpu.yield
      }) : () -> ()
    }
    %scan3A_55 = arith.constant 79 : i32
    %barrier3A_56 = arith.constant 0 : index
    tpu.barrier barrier_id(%barrier3A_56)
    %mul3A_57 = arith.constant 640 : i32
    %mul3A_58 = arith.muli %arg1, %mul3A_57 : i32
    %mul3A_59 = arith.constant 640 : i32
    %mul3A_60 = arith.muli %arg1, %mul3A_59 : i32
    "tpu.region"() ({
      %run_scoped3A = tpu.sem_alloc : memref<!tpu.dma_semaphore, #tpu.memory_space<semaphore_mem>>
      %dma_start3A = tpu.memref_slice %arg4[%arg0, %mul3A_60] : memref<2x10240xf32, #tpu.memory_space<hbm>> -> memref<1x640xf32, #tpu.memory_space<hbm>>
      %dma_start3A_61 = tpu.memref_squeeze %dma_start3A : memref<1x640xf32, #tpu.memory_space<hbm>> -> memref<640xf32, #tpu.memory_space<hbm>>
      %dma_start3A_62 = tpu.memref_slice %arg7[%mul3A_58] : memref<10240xf32, #tpu.memory_space<vmem_shared>> -> memref<640xf32, #tpu.memory_space<vmem_shared>>
      tpu.enqueue_dma source(%dma_start3A_62 : memref<640xf32, #tpu.memory_space<vmem_shared>>) target(%dma_start3A_61 : memref<640xf32, #tpu.memory_space<hbm>>) target_semaphore(%run_scoped3A : memref<!tpu.dma_semaphore, #tpu.memory_space<semaphore_mem>>)
      %dma_wait3A = tpu.memref_slice %arg4[%arg0, %mul3A_60] : memref<2x10240xf32, #tpu.memory_space<hbm>> -> memref<1x640xf32, #tpu.memory_space<hbm>>
      %dma_wait3A_63 = tpu.memref_squeeze %dma_wait3A : memref<1x640xf32, #tpu.memory_space<hbm>> -> memref<640xf32, #tpu.memory_space<hbm>>
      %dma_wait3A_64 = tpu.memref_slice %arg7[%mul3A_58] : memref<10240xf32, #tpu.memory_space<vmem_shared>> -> memref<640xf32, #tpu.memory_space<vmem_shared>>
      tpu.wait_dma2 semaphore(%run_scoped3A : memref<!tpu.dma_semaphore, #tpu.memory_space<semaphore_mem>>) src(%dma_wait3A_64 : memref<640xf32, #tpu.memory_space<vmem_shared>>) dst(%dma_wait3A_63 : memref<640xf32, #tpu.memory_space<hbm>>)
      tpu.yield
    }) : () -> ()
    return
  }
}

#map = affine_map<(d0, d1) -> (0, 0)>
#map1 = affine_map<(d0, d1) -> (0, 0, 0)>
module attributes {stable_mosaic.version = 14 : i64} {
  func.func @spmm_kernel(%arg0: i32, %arg1: i32, %arg2: memref<10240x128xf32, #tpu.memory_space<hbm>>, %arg3: memref<10240x128xf32, #tpu.memory_space<hbm>>, %arg4: memref<32x79x128xi32, #tpu.memory_space<hbm>>, %arg5: memref<32x79x128xi32, #tpu.memory_space<hbm>>, %arg6: memref<2x10240x128xf32, #tpu.memory_space<hbm>>, %arg7: memref<79x128xi32, #tpu.memory_space<vmem>>, %arg8: memref<79x128xi32, #tpu.memory_space<vmem>>, %arg9: memref<64x128xf32, #tpu.memory_space<vmem>>, %arg10: memref<64x128xf32, #tpu.memory_space<vmem>>, %arg11: memref<10240x128xf32, #tpu.memory_space<vmem_shared>>, %arg12: memref<!tpu.dma_semaphore, #tpu.memory_space<semaphore_mem>>, %arg13: memref<!tpu.dma_semaphore, #tpu.memory_space<semaphore_mem>>) attributes {dimension_semantics = [#tpu.dimension_semantics<core_parallel>, #tpu.dimension_semantics<subcore_parallel>], iteration_bounds = array<i64: 2, 16>, scalar_prefetch = 0 : i64, scratch_operands = 7 : i64, tpu.core_type = #tpu.core_type<sc_vector_subcore>, window_params = [{transform_indices = #map}, {transform_indices = #map}, {transform_indices = #map1}, {transform_indices = #map1}, {transform_indices = #map1}]} {
    %mul3A = arith.constant 2 : i32
    %mul3A_0 = arith.muli %arg1, %mul3A : i32
    %add3A = arith.addi %mul3A_0, %arg0 : i32
    %mul3A_1 = arith.constant 640 : i32
    %mul3A_2 = arith.muli %arg1, %mul3A_1 : i32
    %mul3A_3 = arith.constant 640 : i32
    %mul3A_4 = arith.muli %arg1, %mul3A_3 : i32
    "tpu.region"() ({
      %run_scoped3A = tpu.sem_alloc : memref<!tpu.dma_semaphore, #tpu.memory_space<semaphore_mem>>
      %dma_start3A_41 = arith.constant 0 : i32
      %dma_start3A_42 = tpu.memref_slice %arg11[%mul3A_4, %dma_start3A_41] : memref<10240x128xf32, #tpu.memory_space<vmem_shared>> -> memref<640x128xf32, #tpu.memory_space<vmem_shared>>
      %dma_start3A_43 = arith.constant 0 : i32
      %dma_start3A_44 = tpu.memref_slice %arg3[%mul3A_2, %dma_start3A_43] : memref<10240x128xf32, #tpu.memory_space<hbm>> -> memref<640x128xf32, #tpu.memory_space<hbm>>
      tpu.enqueue_dma source(%dma_start3A_44 : memref<640x128xf32, #tpu.memory_space<hbm>>) target(%dma_start3A_42 : memref<640x128xf32, #tpu.memory_space<vmem_shared>>) target_semaphore(%run_scoped3A : memref<!tpu.dma_semaphore, #tpu.memory_space<semaphore_mem>>)
      %dma_wait3A_45 = arith.constant 0 : i32
      %dma_wait3A_46 = tpu.memref_slice %arg11[%mul3A_4, %dma_wait3A_45] : memref<10240x128xf32, #tpu.memory_space<vmem_shared>> -> memref<640x128xf32, #tpu.memory_space<vmem_shared>>
      %dma_wait3A_47 = arith.constant 0 : i32
      %dma_wait3A_48 = tpu.memref_slice %arg3[%mul3A_2, %dma_wait3A_47] : memref<10240x128xf32, #tpu.memory_space<hbm>> -> memref<640x128xf32, #tpu.memory_space<hbm>>
      tpu.wait_dma2 semaphore(%run_scoped3A : memref<!tpu.dma_semaphore, #tpu.memory_space<semaphore_mem>>) src(%dma_wait3A_48 : memref<640x128xf32, #tpu.memory_space<hbm>>) dst(%dma_wait3A_46 : memref<640x128xf32, #tpu.memory_space<vmem_shared>>)
      tpu.yield
    }) : () -> ()
    "tpu.region"() ({
      %run_scoped3A = tpu.sem_alloc : memref<!tpu.dma_semaphore, #tpu.memory_space<semaphore_mem>>
      %dma_start3A_41 = arith.constant 0 : i32
      %dma_start3A_42 = arith.constant 0 : i32
      %dma_start3A_43 = tpu.memref_slice %arg4[%add3A, %dma_start3A_41, %dma_start3A_42] : memref<32x79x128xi32, #tpu.memory_space<hbm>> -> memref<1x79x128xi32, #tpu.memory_space<hbm>>
      %dma_start3A_44 = tpu.memref_squeeze %dma_start3A_43 : memref<1x79x128xi32, #tpu.memory_space<hbm>> -> memref<79x128xi32, #tpu.memory_space<hbm>>
      %dma_start3A_45 = arith.constant 0 : i32
      %dma_start3A_46 = arith.constant 0 : i32
      %dma_start3A_47 = tpu.memref_slice %arg4[%add3A, %dma_start3A_45, %dma_start3A_46] : memref<32x79x128xi32, #tpu.memory_space<hbm>> -> memref<1x79x128xi32, #tpu.memory_space<hbm>>
      %dma_start3A_48 = tpu.memref_squeeze %dma_start3A_47 : memref<1x79x128xi32, #tpu.memory_space<hbm>> -> memref<79x128xi32, #tpu.memory_space<hbm>>
      tpu.enqueue_dma source(%dma_start3A_48 : memref<79x128xi32, #tpu.memory_space<hbm>>) target(%arg7 : memref<79x128xi32, #tpu.memory_space<vmem>>) target_semaphore(%run_scoped3A : memref<!tpu.dma_semaphore, #tpu.memory_space<semaphore_mem>>)
      %dma_wait3A_49 = arith.constant 0 : i32
      %dma_wait3A_50 = arith.constant 0 : i32
      %dma_wait3A_51 = tpu.memref_slice %arg4[%add3A, %dma_wait3A_49, %dma_wait3A_50] : memref<32x79x128xi32, #tpu.memory_space<hbm>> -> memref<1x79x128xi32, #tpu.memory_space<hbm>>
      %dma_wait3A_52 = tpu.memref_squeeze %dma_wait3A_51 : memref<1x79x128xi32, #tpu.memory_space<hbm>> -> memref<79x128xi32, #tpu.memory_space<hbm>>
      %dma_wait3A_53 = arith.constant 0 : i32
      %dma_wait3A_54 = arith.constant 0 : i32
      %dma_wait3A_55 = tpu.memref_slice %arg4[%add3A, %dma_wait3A_53, %dma_wait3A_54] : memref<32x79x128xi32, #tpu.memory_space<hbm>> -> memref<1x79x128xi32, #tpu.memory_space<hbm>>
      %dma_wait3A_56 = tpu.memref_squeeze %dma_wait3A_55 : memref<1x79x128xi32, #tpu.memory_space<hbm>> -> memref<79x128xi32, #tpu.memory_space<hbm>>
      tpu.wait_dma2 semaphore(%run_scoped3A : memref<!tpu.dma_semaphore, #tpu.memory_space<semaphore_mem>>) src(%dma_wait3A_56 : memref<79x128xi32, #tpu.memory_space<hbm>>) dst(%arg7 : memref<79x128xi32, #tpu.memory_space<vmem>>)
      tpu.yield
    }) : () -> ()
    "tpu.region"() ({
      %run_scoped3A = tpu.sem_alloc : memref<!tpu.dma_semaphore, #tpu.memory_space<semaphore_mem>>
      %dma_start3A_41 = arith.constant 0 : i32
      %dma_start3A_42 = arith.constant 0 : i32
      %dma_start3A_43 = tpu.memref_slice %arg5[%add3A, %dma_start3A_41, %dma_start3A_42] : memref<32x79x128xi32, #tpu.memory_space<hbm>> -> memref<1x79x128xi32, #tpu.memory_space<hbm>>
      %dma_start3A_44 = tpu.memref_squeeze %dma_start3A_43 : memref<1x79x128xi32, #tpu.memory_space<hbm>> -> memref<79x128xi32, #tpu.memory_space<hbm>>
      %dma_start3A_45 = arith.constant 0 : i32
      %dma_start3A_46 = arith.constant 0 : i32
      %dma_start3A_47 = tpu.memref_slice %arg5[%add3A, %dma_start3A_45, %dma_start3A_46] : memref<32x79x128xi32, #tpu.memory_space<hbm>> -> memref<1x79x128xi32, #tpu.memory_space<hbm>>
      %dma_start3A_48 = tpu.memref_squeeze %dma_start3A_47 : memref<1x79x128xi32, #tpu.memory_space<hbm>> -> memref<79x128xi32, #tpu.memory_space<hbm>>
      tpu.enqueue_dma source(%dma_start3A_48 : memref<79x128xi32, #tpu.memory_space<hbm>>) target(%arg8 : memref<79x128xi32, #tpu.memory_space<vmem>>) target_semaphore(%run_scoped3A : memref<!tpu.dma_semaphore, #tpu.memory_space<semaphore_mem>>)
      %dma_wait3A_49 = arith.constant 0 : i32
      %dma_wait3A_50 = arith.constant 0 : i32
      %dma_wait3A_51 = tpu.memref_slice %arg5[%add3A, %dma_wait3A_49, %dma_wait3A_50] : memref<32x79x128xi32, #tpu.memory_space<hbm>> -> memref<1x79x128xi32, #tpu.memory_space<hbm>>
      %dma_wait3A_52 = tpu.memref_squeeze %dma_wait3A_51 : memref<1x79x128xi32, #tpu.memory_space<hbm>> -> memref<79x128xi32, #tpu.memory_space<hbm>>
      %dma_wait3A_53 = arith.constant 0 : i32
      %dma_wait3A_54 = arith.constant 0 : i32
      %dma_wait3A_55 = tpu.memref_slice %arg5[%add3A, %dma_wait3A_53, %dma_wait3A_54] : memref<32x79x128xi32, #tpu.memory_space<hbm>> -> memref<1x79x128xi32, #tpu.memory_space<hbm>>
      %dma_wait3A_56 = tpu.memref_squeeze %dma_wait3A_55 : memref<1x79x128xi32, #tpu.memory_space<hbm>> -> memref<79x128xi32, #tpu.memory_space<hbm>>
      tpu.wait_dma2 semaphore(%run_scoped3A : memref<!tpu.dma_semaphore, #tpu.memory_space<semaphore_mem>>) src(%dma_wait3A_56 : memref<79x128xi32, #tpu.memory_space<hbm>>) dst(%arg8 : memref<79x128xi32, #tpu.memory_space<vmem>>)
      tpu.yield
    }) : () -> ()
    %barrier3A = arith.constant 0 : index
    tpu.barrier barrier_id(%barrier3A)
    %dma_start3A = arith.constant 0 : i32
    %dma_start3A_5 = arith.constant 0 : i32
    %dma_start3A_6 = tpu.memref_slice %arg7[%dma_start3A, %dma_start3A_5] : memref<79x128xi32, #tpu.memory_space<vmem>> -> memref<1x64xi32, #tpu.memory_space<vmem>>
    %dma_start3A_7 = tpu.memref_squeeze %dma_start3A_6 : memref<1x64xi32, #tpu.memory_space<vmem>> -> memref<64xi32, #tpu.memory_space<vmem>>
    %dma_start3A_8 = arith.constant 0 : i32
    %dma_start3A_9 = arith.constant 0 : i32
    %dma_start3A_10 = tpu.memref_slice %arg2[%dma_start3A_8, %dma_start3A_9] : memref<10240x128xf32, #tpu.memory_space<hbm>> -> memref<10240x128xf32, #tpu.memory_space<hbm>>
    tpu.enqueue_indirect_dma source(%dma_start3A_10 : memref<10240x128xf32, #tpu.memory_space<hbm>>) target(%arg9 : memref<64x128xf32, #tpu.memory_space<vmem>>) offsets(%dma_start3A_7 : memref<64xi32, #tpu.memory_space<vmem>>) semaphore(%arg12 : memref<!tpu.dma_semaphore, #tpu.memory_space<semaphore_mem>>)
    %dma_start3A_11 = arith.constant 0 : i32
    %dma_start3A_12 = arith.constant 64 : i32
    %dma_start3A_13 = tpu.memref_slice %arg7[%dma_start3A_11, %dma_start3A_12] : memref<79x128xi32, #tpu.memory_space<vmem>> -> memref<1x64xi32, #tpu.memory_space<vmem>>
    %dma_start3A_14 = tpu.memref_squeeze %dma_start3A_13 : memref<1x64xi32, #tpu.memory_space<vmem>> -> memref<64xi32, #tpu.memory_space<vmem>>
    %dma_start3A_15 = arith.constant 0 : i32
    %dma_start3A_16 = arith.constant 0 : i32
    %dma_start3A_17 = tpu.memref_slice %arg2[%dma_start3A_15, %dma_start3A_16] : memref<10240x128xf32, #tpu.memory_space<hbm>> -> memref<10240x128xf32, #tpu.memory_space<hbm>>
    tpu.enqueue_indirect_dma source(%dma_start3A_17 : memref<10240x128xf32, #tpu.memory_space<hbm>>) target(%arg10 : memref<64x128xf32, #tpu.memory_space<vmem>>) offsets(%dma_start3A_14 : memref<64xi32, #tpu.memory_space<vmem>>) semaphore(%arg13 : memref<!tpu.dma_semaphore, #tpu.memory_space<semaphore_mem>>)
    %scan3A = arith.constant 0 : i32
    %scan3A_18 = arith.constant 0 : i32
    %scan3A_19 = arith.constant 79 : i32
    %scan3A_20 = arith.addi %scan3A_18, %scan3A_19 : i32
    %scan3A_21 = arith.constant 1 : i32
    scf.for %scan3A_41 = %scan3A_18 to %scan3A_20 step %scan3A_21  : i32 {
      %add3A_42 = arith.constant 1 : i32
      %add3A_43 = arith.addi %scan3A_41, %add3A_42 : i32
      %min3A = arith.constant 78 : i32
      %min3A_44 = arith.minsi %add3A_43, %min3A : i32
      %dma_wait3A_45 = arith.constant 0 : i32
      %dma_wait3A_46 = tpu.memref_slice %arg7[%scan3A_41, %dma_wait3A_45] : memref<79x128xi32, #tpu.memory_space<vmem>> -> memref<1x64xi32, #tpu.memory_space<vmem>>
      %dma_wait3A_47 = tpu.memref_squeeze %dma_wait3A_46 : memref<1x64xi32, #tpu.memory_space<vmem>> -> memref<64xi32, #tpu.memory_space<vmem>>
      %dma_wait3A_48 = arith.constant 0 : i32
      %dma_wait3A_49 = arith.constant 0 : i32
      %dma_wait3A_50 = tpu.memref_slice %arg2[%dma_wait3A_48, %dma_wait3A_49] : memref<10240x128xf32, #tpu.memory_space<hbm>> -> memref<10240x128xf32, #tpu.memory_space<hbm>>
      tpu.wait_indirect_dma semaphore(%arg12 : memref<!tpu.dma_semaphore, #tpu.memory_space<semaphore_mem>>) src(%dma_wait3A_50 : memref<10240x128xf32, #tpu.memory_space<hbm>>) dst(%arg9 : memref<64x128xf32, #tpu.memory_space<vmem>>)
      "tpu.region"() ({
        %run_scoped3A = tpu.sem_alloc : memref<!tpu.dma_semaphore, #tpu.memory_space<semaphore_mem>>
        %dma_start3A_69 = arith.constant 0 : i32
        %dma_start3A_70 = tpu.memref_slice %arg8[%scan3A_41, %dma_start3A_69] : memref<79x128xi32, #tpu.memory_space<vmem>> -> memref<1x64xi32, #tpu.memory_space<vmem>>
        %dma_start3A_71 = tpu.memref_squeeze %dma_start3A_70 : memref<1x64xi32, #tpu.memory_space<vmem>> -> memref<64xi32, #tpu.memory_space<vmem>>
        %dma_start3A_72 = arith.constant 0 : i32
        %dma_start3A_73 = arith.constant 0 : i32
        %dma_start3A_74 = tpu.memref_slice %arg11[%dma_start3A_72, %dma_start3A_73] : memref<10240x128xf32, #tpu.memory_space<vmem_shared>> -> memref<10240x128xf32, #tpu.memory_space<vmem_shared>>
        tpu.enqueue_indirect_dma source(%arg9 : memref<64x128xf32, #tpu.memory_space<vmem>>) target(%dma_start3A_74 : memref<10240x128xf32, #tpu.memory_space<vmem_shared>>) offsets(%dma_start3A_71 : memref<64xi32, #tpu.memory_space<vmem>>) semaphore(%run_scoped3A : memref<!tpu.dma_semaphore, #tpu.memory_space<semaphore_mem>>) {add = true}
        %dma_wait3A_75 = arith.constant 0 : i32
        %dma_wait3A_76 = tpu.memref_slice %arg8[%scan3A_41, %dma_wait3A_75] : memref<79x128xi32, #tpu.memory_space<vmem>> -> memref<1x64xi32, #tpu.memory_space<vmem>>
        %dma_wait3A_77 = tpu.memref_squeeze %dma_wait3A_76 : memref<1x64xi32, #tpu.memory_space<vmem>> -> memref<64xi32, #tpu.memory_space<vmem>>
        %dma_wait3A_78 = arith.constant 0 : i32
        %dma_wait3A_79 = arith.constant 0 : i32
        %dma_wait3A_80 = tpu.memref_slice %arg11[%dma_wait3A_78, %dma_wait3A_79] : memref<10240x128xf32, #tpu.memory_space<vmem_shared>> -> memref<10240x128xf32, #tpu.memory_space<vmem_shared>>
        tpu.wait_indirect_dma semaphore(%run_scoped3A : memref<!tpu.dma_semaphore, #tpu.memory_space<semaphore_mem>>) src(%arg9 : memref<64x128xf32, #tpu.memory_space<vmem>>) dst(%dma_wait3A_80 : memref<10240x128xf32, #tpu.memory_space<vmem_shared>>)
        tpu.yield
      }) : () -> ()
      %dma_start3A_51 = arith.constant 0 : i32
      %dma_start3A_52 = tpu.memref_slice %arg7[%min3A_44, %dma_start3A_51] : memref<79x128xi32, #tpu.memory_space<vmem>> -> memref<1x64xi32, #tpu.memory_space<vmem>>
      %dma_start3A_53 = tpu.memref_squeeze %dma_start3A_52 : memref<1x64xi32, #tpu.memory_space<vmem>> -> memref<64xi32, #tpu.memory_space<vmem>>
      %dma_start3A_54 = arith.constant 0 : i32
      %dma_start3A_55 = arith.constant 0 : i32
      %dma_start3A_56 = tpu.memref_slice %arg2[%dma_start3A_54, %dma_start3A_55] : memref<10240x128xf32, #tpu.memory_space<hbm>> -> memref<10240x128xf32, #tpu.memory_space<hbm>>
      tpu.enqueue_indirect_dma source(%dma_start3A_56 : memref<10240x128xf32, #tpu.memory_space<hbm>>) target(%arg9 : memref<64x128xf32, #tpu.memory_space<vmem>>) offsets(%dma_start3A_53 : memref<64xi32, #tpu.memory_space<vmem>>) semaphore(%arg12 : memref<!tpu.dma_semaphore, #tpu.memory_space<semaphore_mem>>)
      %dma_wait3A_57 = arith.constant 64 : i32
      %dma_wait3A_58 = tpu.memref_slice %arg7[%scan3A_41, %dma_wait3A_57] : memref<79x128xi32, #tpu.memory_space<vmem>> -> memref<1x64xi32, #tpu.memory_space<vmem>>
      %dma_wait3A_59 = tpu.memref_squeeze %dma_wait3A_58 : memref<1x64xi32, #tpu.memory_space<vmem>> -> memref<64xi32, #tpu.memory_space<vmem>>
      %dma_wait3A_60 = arith.constant 0 : i32
      %dma_wait3A_61 = arith.constant 0 : i32
      %dma_wait3A_62 = tpu.memref_slice %arg2[%dma_wait3A_60, %dma_wait3A_61] : memref<10240x128xf32, #tpu.memory_space<hbm>> -> memref<10240x128xf32, #tpu.memory_space<hbm>>
      tpu.wait_indirect_dma semaphore(%arg13 : memref<!tpu.dma_semaphore, #tpu.memory_space<semaphore_mem>>) src(%dma_wait3A_62 : memref<10240x128xf32, #tpu.memory_space<hbm>>) dst(%arg10 : memref<64x128xf32, #tpu.memory_space<vmem>>)
      "tpu.region"() ({
        %run_scoped3A = tpu.sem_alloc : memref<!tpu.dma_semaphore, #tpu.memory_space<semaphore_mem>>
        %dma_start3A_69 = arith.constant 64 : i32
        %dma_start3A_70 = tpu.memref_slice %arg8[%scan3A_41, %dma_start3A_69] : memref<79x128xi32, #tpu.memory_space<vmem>> -> memref<1x64xi32, #tpu.memory_space<vmem>>
        %dma_start3A_71 = tpu.memref_squeeze %dma_start3A_70 : memref<1x64xi32, #tpu.memory_space<vmem>> -> memref<64xi32, #tpu.memory_space<vmem>>
        %dma_start3A_72 = arith.constant 0 : i32
        %dma_start3A_73 = arith.constant 0 : i32
        %dma_start3A_74 = tpu.memref_slice %arg11[%dma_start3A_72, %dma_start3A_73] : memref<10240x128xf32, #tpu.memory_space<vmem_shared>> -> memref<10240x128xf32, #tpu.memory_space<vmem_shared>>
        tpu.enqueue_indirect_dma source(%arg10 : memref<64x128xf32, #tpu.memory_space<vmem>>) target(%dma_start3A_74 : memref<10240x128xf32, #tpu.memory_space<vmem_shared>>) offsets(%dma_start3A_71 : memref<64xi32, #tpu.memory_space<vmem>>) semaphore(%run_scoped3A : memref<!tpu.dma_semaphore, #tpu.memory_space<semaphore_mem>>) {add = true}
        %dma_wait3A_75 = arith.constant 64 : i32
        %dma_wait3A_76 = tpu.memref_slice %arg8[%scan3A_41, %dma_wait3A_75] : memref<79x128xi32, #tpu.memory_space<vmem>> -> memref<1x64xi32, #tpu.memory_space<vmem>>
        %dma_wait3A_77 = tpu.memref_squeeze %dma_wait3A_76 : memref<1x64xi32, #tpu.memory_space<vmem>> -> memref<64xi32, #tpu.memory_space<vmem>>
        %dma_wait3A_78 = arith.constant 0 : i32
        %dma_wait3A_79 = arith.constant 0 : i32
        %dma_wait3A_80 = tpu.memref_slice %arg11[%dma_wait3A_78, %dma_wait3A_79] : memref<10240x128xf32, #tpu.memory_space<vmem_shared>> -> memref<10240x128xf32, #tpu.memory_space<vmem_shared>>
        tpu.wait_indirect_dma semaphore(%run_scoped3A : memref<!tpu.dma_semaphore, #tpu.memory_space<semaphore_mem>>) src(%arg10 : memref<64x128xf32, #tpu.memory_space<vmem>>) dst(%dma_wait3A_80 : memref<10240x128xf32, #tpu.memory_space<vmem_shared>>)
        tpu.yield
      }) : () -> ()
      %dma_start3A_63 = arith.constant 64 : i32
      %dma_start3A_64 = tpu.memref_slice %arg7[%min3A_44, %dma_start3A_63] : memref<79x128xi32, #tpu.memory_space<vmem>> -> memref<1x64xi32, #tpu.memory_space<vmem>>
      %dma_start3A_65 = tpu.memref_squeeze %dma_start3A_64 : memref<1x64xi32, #tpu.memory_space<vmem>> -> memref<64xi32, #tpu.memory_space<vmem>>
      %dma_start3A_66 = arith.constant 0 : i32
      %dma_start3A_67 = arith.constant 0 : i32
      %dma_start3A_68 = tpu.memref_slice %arg2[%dma_start3A_66, %dma_start3A_67] : memref<10240x128xf32, #tpu.memory_space<hbm>> -> memref<10240x128xf32, #tpu.memory_space<hbm>>
      tpu.enqueue_indirect_dma source(%dma_start3A_68 : memref<10240x128xf32, #tpu.memory_space<hbm>>) target(%arg10 : memref<64x128xf32, #tpu.memory_space<vmem>>) offsets(%dma_start3A_65 : memref<64xi32, #tpu.memory_space<vmem>>) semaphore(%arg13 : memref<!tpu.dma_semaphore, #tpu.memory_space<semaphore_mem>>)
    }
    %scan3A_22 = arith.constant 79 : i32
    %dma_wait3A = arith.constant 0 : i32
    %dma_wait3A_23 = arith.constant 0 : i32
    %dma_wait3A_24 = tpu.memref_slice %arg7[%dma_wait3A, %dma_wait3A_23] : memref<79x128xi32, #tpu.memory_space<vmem>> -> memref<1x64xi32, #tpu.memory_space<vmem>>
    %dma_wait3A_25 = tpu.memref_squeeze %dma_wait3A_24 : memref<1x64xi32, #tpu.memory_space<vmem>> -> memref<64xi32, #tpu.memory_space<vmem>>
    %dma_wait3A_26 = arith.constant 0 : i32
    %dma_wait3A_27 = arith.constant 0 : i32
    %dma_wait3A_28 = tpu.memref_slice %arg2[%dma_wait3A_26, %dma_wait3A_27] : memref<10240x128xf32, #tpu.memory_space<hbm>> -> memref<10240x128xf32, #tpu.memory_space<hbm>>
    tpu.wait_indirect_dma semaphore(%arg12 : memref<!tpu.dma_semaphore, #tpu.memory_space<semaphore_mem>>) src(%dma_wait3A_28 : memref<10240x128xf32, #tpu.memory_space<hbm>>) dst(%arg9 : memref<64x128xf32, #tpu.memory_space<vmem>>)
    %dma_wait3A_29 = arith.constant 0 : i32
    %dma_wait3A_30 = arith.constant 64 : i32
    %dma_wait3A_31 = tpu.memref_slice %arg7[%dma_wait3A_29, %dma_wait3A_30] : memref<79x128xi32, #tpu.memory_space<vmem>> -> memref<1x64xi32, #tpu.memory_space<vmem>>
    %dma_wait3A_32 = tpu.memref_squeeze %dma_wait3A_31 : memref<1x64xi32, #tpu.memory_space<vmem>> -> memref<64xi32, #tpu.memory_space<vmem>>
    %dma_wait3A_33 = arith.constant 0 : i32
    %dma_wait3A_34 = arith.constant 0 : i32
    %dma_wait3A_35 = tpu.memref_slice %arg2[%dma_wait3A_33, %dma_wait3A_34] : memref<10240x128xf32, #tpu.memory_space<hbm>> -> memref<10240x128xf32, #tpu.memory_space<hbm>>
    tpu.wait_indirect_dma semaphore(%arg13 : memref<!tpu.dma_semaphore, #tpu.memory_space<semaphore_mem>>) src(%dma_wait3A_35 : memref<10240x128xf32, #tpu.memory_space<hbm>>) dst(%arg10 : memref<64x128xf32, #tpu.memory_space<vmem>>)
    %barrier3A_36 = arith.constant 0 : index
    tpu.barrier barrier_id(%barrier3A_36)
    %mul3A_37 = arith.constant 640 : i32
    %mul3A_38 = arith.muli %arg1, %mul3A_37 : i32
    %mul3A_39 = arith.constant 640 : i32
    %mul3A_40 = arith.muli %arg1, %mul3A_39 : i32
    "tpu.region"() ({
      %run_scoped3A = tpu.sem_alloc : memref<!tpu.dma_semaphore, #tpu.memory_space<semaphore_mem>>
      %dma_start3A_41 = arith.constant 0 : i32
      %dma_start3A_42 = tpu.memref_slice %arg6[%arg0, %mul3A_40, %dma_start3A_41] : memref<2x10240x128xf32, #tpu.memory_space<hbm>> -> memref<1x640x128xf32, #tpu.memory_space<hbm>>
      %dma_start3A_43 = tpu.memref_squeeze %dma_start3A_42 : memref<1x640x128xf32, #tpu.memory_space<hbm>> -> memref<640x128xf32, #tpu.memory_space<hbm>>
      %dma_start3A_44 = arith.constant 0 : i32
      %dma_start3A_45 = tpu.memref_slice %arg11[%mul3A_38, %dma_start3A_44] : memref<10240x128xf32, #tpu.memory_space<vmem_shared>> -> memref<640x128xf32, #tpu.memory_space<vmem_shared>>
      tpu.enqueue_dma source(%dma_start3A_45 : memref<640x128xf32, #tpu.memory_space<vmem_shared>>) target(%dma_start3A_43 : memref<640x128xf32, #tpu.memory_space<hbm>>) target_semaphore(%run_scoped3A : memref<!tpu.dma_semaphore, #tpu.memory_space<semaphore_mem>>)
      %dma_wait3A_46 = arith.constant 0 : i32
      %dma_wait3A_47 = tpu.memref_slice %arg6[%arg0, %mul3A_40, %dma_wait3A_46] : memref<2x10240x128xf32, #tpu.memory_space<hbm>> -> memref<1x640x128xf32, #tpu.memory_space<hbm>>
      %dma_wait3A_48 = tpu.memref_squeeze %dma_wait3A_47 : memref<1x640x128xf32, #tpu.memory_space<hbm>> -> memref<640x128xf32, #tpu.memory_space<hbm>>
      %dma_wait3A_49 = arith.constant 0 : i32
      %dma_wait3A_50 = tpu.memref_slice %arg11[%mul3A_38, %dma_wait3A_49] : memref<10240x128xf32, #tpu.memory_space<vmem_shared>> -> memref<640x128xf32, #tpu.memory_space<vmem_shared>>
      tpu.wait_dma2 semaphore(%run_scoped3A : memref<!tpu.dma_semaphore, #tpu.memory_space<semaphore_mem>>) src(%dma_wait3A_50 : memref<640x128xf32, #tpu.memory_space<vmem_shared>>) dst(%dma_wait3A_48 : memref<640x128xf32, #tpu.memory_space<hbm>>)
      tpu.yield
    }) : () -> ()
    return
  }
}

module attributes {stable_mosaic.version = 14 : i64} {
  func.func @_mlp_body(%arg0: i32, %arg1: memref<1024x128xf32, #tpu.memory_space<vmem>>, %arg2: memref<128x128xf32, #tpu.memory_space<vmem>>, %arg3: memref<1x128xf32, #tpu.memory_space<vmem>>, %arg4: memref<128x128xf32, #tpu.memory_space<vmem>>, %arg5: memref<1x128xf32, #tpu.memory_space<vmem>>, %arg6: memref<1024x128xf32, #tpu.memory_space<vmem>>) attributes {dimension_semantics = [#tpu.dimension_semantics<arbitrary>], iteration_bounds = array<i64: 10>, scalar_prefetch = 0 : i64, scratch_operands = 0 : i64, tpu.core_type = #tpu.core_type<tc>, window_params = [{transform_indices = @transform_0, window_bounds = array<i64: 1024, 128>}, {pipeline_mode = #tpu.pipeline_mode<synchronous>, transform_indices = @transform_1, window_bounds = array<i64: 128, 128>}, {pipeline_mode = #tpu.pipeline_mode<synchronous>, transform_indices = @transform_2, window_bounds = array<i64: 1, 128>}, {pipeline_mode = #tpu.pipeline_mode<synchronous>, transform_indices = @transform_3, window_bounds = array<i64: 128, 128>}, {pipeline_mode = #tpu.pipeline_mode<synchronous>, transform_indices = @transform_4, window_bounds = array<i64: 1, 128>}, {transform_indices = @transform_5, window_bounds = array<i64: 1024, 128>}]} {
    %get3A = arith.constant 0 : index
    %get3A_0 = arith.constant 0 : index
    %get3A_1 = vector.load %arg1[%get3A, %get3A_0] : memref<1024x128xf32, #tpu.memory_space<vmem>>, vector<1024x128xf32>
    %get3A_2 = arith.constant 0 : index
    %get3A_3 = arith.constant 0 : index
    %get3A_4 = vector.load %arg2[%get3A_2, %get3A_3] : memref<128x128xf32, #tpu.memory_space<vmem>>, vector<128x128xf32>
    %dot_general3A = arith.constant dense<0.000000e+00> : vector<1024x128xf32>
    %dot_general3A_5 = tpu.matmul %get3A_1, %get3A_4, %dot_general3A {dimension_numbers = #tpu.dot_dimension_numbers<[1], [1], [0], [0], [0, 0, 1, 0], [], []>, transpose_lhs_hint = false} : vector<1024x128xf32>, vector<128x128xf32>, vector<1024x128xf32> -> vector<1024x128xf32>
    %get3A_6 = arith.constant 0 : index
    %get3A_7 = arith.constant 0 : index
    %get3A_8 = vector.load %arg3[%get3A_6, %get3A_7] : memref<1x128xf32, #tpu.memory_space<vmem>>, vector<1x128xf32>
    %add3A = vector.broadcast %get3A_8 : vector<1x128xf32> to vector<1024x128xf32>
    %add3A_9 = arith.addf %dot_general3A_5, %add3A : vector<1024x128xf32>
    %max3A = arith.constant 0.000000e+00 : f32
    %max3A_10 = vector.broadcast %max3A : f32 to vector<1024x128xf32>
    %max3A_11 = arith.maximumf %add3A_9, %max3A_10 : vector<1024x128xf32>
    %get3A_12 = arith.constant 0 : index
    %get3A_13 = arith.constant 0 : index
    %get3A_14 = vector.load %arg4[%get3A_12, %get3A_13] : memref<128x128xf32, #tpu.memory_space<vmem>>, vector<128x128xf32>
    %dot_general3A_15 = arith.constant dense<0.000000e+00> : vector<1024x128xf32>
    %dot_general3A_16 = tpu.matmul %max3A_11, %get3A_14, %dot_general3A_15 {dimension_numbers = #tpu.dot_dimension_numbers<[1], [1], [0], [0], [0, 0, 1, 0], [], []>, transpose_lhs_hint = false} : vector<1024x128xf32>, vector<128x128xf32>, vector<1024x128xf32> -> vector<1024x128xf32>
    %get3A_17 = arith.constant 0 : index
    %get3A_18 = arith.constant 0 : index
    %get3A_19 = vector.load %arg5[%get3A_17, %get3A_18] : memref<1x128xf32, #tpu.memory_space<vmem>>, vector<1x128xf32>
    %add3A_20 = vector.broadcast %get3A_19 : vector<1x128xf32> to vector<1024x128xf32>
    %add3A_21 = arith.addf %dot_general3A_16, %add3A_20 : vector<1024x128xf32>
    %max3A_22 = arith.constant 0.000000e+00 : f32
    %max3A_23 = vector.broadcast %max3A_22 : f32 to vector<1024x128xf32>
    %max3A_24 = arith.maximumf %add3A_21, %max3A_23 : vector<1024x128xf32>
    %swap3A = arith.constant 0 : index
    %swap3A_25 = arith.constant 0 : index
    %swap3A_26 = vector.load %arg6[%swap3A, %swap3A_25] : memref<1024x128xf32, #tpu.memory_space<vmem>>, vector<1024x128xf32>
    tpu.vector_store %arg6[%swap3A, %swap3A_25], %max3A_24 {strides = array<i32>} : memref<1024x128xf32, #tpu.memory_space<vmem>>, vector<1024x128xf32>,
    return
  }
  func.func @transform_0(%arg0: i32) -> (i32, i32) {
    %c0_i32 = arith.constant 0 : i32
    %c0_i32_0 = arith.constant 0 : i32
    return %arg0, %c0_i32 : i32, i32
  }
  func.func @transform_1(%arg0: i32) -> (i32, i32) {
    %c0_i32 = arith.constant 0 : i32
    %c0_i32_0 = arith.constant 0 : i32
    %c0_i32_1 = arith.constant 0 : i32
    return %c0_i32, %c0_i32_0 : i32, i32
  }
  func.func @transform_2(%arg0: i32) -> (i32, i32) {
    %c0_i32 = arith.constant 0 : i32
    %c0_i32_0 = arith.constant 0 : i32
    %c0_i32_1 = arith.constant 0 : i32
    return %c0_i32, %c0_i32_0 : i32, i32
  }
  func.func @transform_3(%arg0: i32) -> (i32, i32) {
    %c0_i32 = arith.constant 0 : i32
    %c0_i32_0 = arith.constant 0 : i32
    %c0_i32_1 = arith.constant 0 : i32
    return %c0_i32, %c0_i32_0 : i32, i32
  }
  func.func @transform_4(%arg0: i32) -> (i32, i32) {
    %c0_i32 = arith.constant 0 : i32
    %c0_i32_0 = arith.constant 0 : i32
    %c0_i32_1 = arith.constant 0 : i32
    return %c0_i32, %c0_i32_0 : i32, i32
  }
  func.func @transform_5(%arg0: i32) -> (i32, i32) {
    %c0_i32 = arith.constant 0 : i32
    %c0_i32_0 = arith.constant 0 : i32
    return %arg0, %c0_i32 : i32, i32
  }
}

module attributes {stable_mosaic.version = 14 : i64} {
  func.func @_scale_body(%arg0: i32, %arg1: memref<2x1024x1xf32, #tpu.memory_space<vmem>>, %arg2: memref<1024x128xf32, #tpu.memory_space<vmem>>, %arg3: memref<1024x1xf32, #tpu.memory_space<vmem>>, %arg4: memref<1024x128xf32, #tpu.memory_space<vmem>>) attributes {dimension_semantics = [#tpu.dimension_semantics<arbitrary>], iteration_bounds = array<i64: 10>, scalar_prefetch = 0 : i64, scratch_operands = 0 : i64, tpu.core_type = #tpu.core_type<tc>, window_params = [{transform_indices = @transform_0, window_bounds = array<i64: 2, 1024, 1>}, {transform_indices = @transform_1, window_bounds = array<i64: 1024, 128>}, {transform_indices = @transform_2, window_bounds = array<i64: 1024, 1>}, {transform_indices = @transform_3, window_bounds = array<i64: 1024, 128>}]} {
    %get3A = arith.constant 0 : index
    %get3A_0 = arith.constant 0 : index
    %get3A_1 = arith.constant 0 : index
    %get3A_2 = vector.load %arg1[%get3A, %get3A_0, %get3A_1] : memref<2x1024x1xf32, #tpu.memory_space<vmem>>, vector<1x1024x1xf32>
    %get3A_3 = vector.shape_cast %get3A_2 : vector<1x1024x1xf32> to vector<1024x1xf32>
    %get3A_4 = arith.constant 1 : index
    %get3A_5 = arith.constant 0 : index
    %get3A_6 = arith.constant 0 : index
    %get3A_7 = vector.load %arg1[%get3A_4, %get3A_5, %get3A_6] : memref<2x1024x1xf32, #tpu.memory_space<vmem>>, vector<1x1024x1xf32>
    %get3A_8 = vector.shape_cast %get3A_7 : vector<1x1024x1xf32> to vector<1024x1xf32>
    %add3A = arith.addf %get3A_3, %get3A_8 : vector<1024x1xf32>
    %gt3A = arith.constant 0.000000e+00 : f32
    %gt3A_9 = vector.broadcast %gt3A : f32 to vector<1024x1xf32>
    %gt3A_10 = arith.cmpf ogt, %add3A, %gt3A_9 : vector<1024x1xf32>
    %jit3A = arith.constant 1.000000e+00 : f32
    %broadcast_in_dim3A = vector.broadcast %jit3A : f32 to vector<1024x1xf32>
    %select_n3A = arith.select %gt3A_10, %add3A, %broadcast_in_dim3A : vector<1024x1xi1>, vector<1024x1xf32>
    %gt3A_11 = arith.constant 0.000000e+00 : f32
    %gt3A_12 = vector.broadcast %gt3A_11 : f32 to vector<1024x1xf32>
    %gt3A_13 = arith.cmpf ogt, %add3A, %gt3A_12 : vector<1024x1xf32>
    %rsqrt3A = math.rsqrt %select_n3A : vector<1024x1xf32>
    %jit3A_14 = arith.constant 0.000000e+00 : f32
    %broadcast_in_dim3A_15 = vector.broadcast %jit3A_14 : f32 to vector<1024x1xf32>
    %select_n3A_16 = arith.select %gt3A_13, %rsqrt3A, %broadcast_in_dim3A_15 : vector<1024x1xi1>, vector<1024x1xf32>
    %swap3A = arith.constant 0 : index
    %swap3A_17 = arith.constant 0 : index
    %swap3A_18 = vector.load %arg3[%swap3A, %swap3A_17] : memref<1024x1xf32, #tpu.memory_space<vmem>>, vector<1024x1xf32>
    tpu.vector_store %arg3[%swap3A, %swap3A_17], %select_n3A_16 {strides = array<i32>} : memref<1024x1xf32, #tpu.memory_space<vmem>>, vector<1024x1xf32>,
    %get3A_19 = arith.constant 0 : index
    %get3A_20 = arith.constant 0 : index
    %get3A_21 = vector.load %arg2[%get3A_19, %get3A_20] : memref<1024x128xf32, #tpu.memory_space<vmem>>, vector<1024x128xf32>
    %mul3A = vector.broadcast %select_n3A_16 : vector<1024x1xf32> to vector<1024x128xf32>
    %mul3A_22 = arith.mulf %mul3A, %get3A_21 : vector<1024x128xf32>
    %swap3A_23 = arith.constant 0 : index
    %swap3A_24 = arith.constant 0 : index
    %swap3A_25 = vector.load %arg4[%swap3A_23, %swap3A_24] : memref<1024x128xf32, #tpu.memory_space<vmem>>, vector<1024x128xf32>
    tpu.vector_store %arg4[%swap3A_23, %swap3A_24], %mul3A_22 {strides = array<i32>} : memref<1024x128xf32, #tpu.memory_space<vmem>>, vector<1024x128xf32>,
    return
  }
  func.func @transform_0(%arg0: i32) -> (i32, i32, i32) {
    %c0_i32 = arith.constant 0 : i32
    %c0_i32_0 = arith.constant 0 : i32
    %c0_i32_1 = arith.constant 0 : i32
    return %c0_i32, %arg0, %c0_i32_0 : i32, i32, i32
  }
  func.func @transform_1(%arg0: i32) -> (i32, i32) {
    %c0_i32 = arith.constant 0 : i32
    %c0_i32_0 = arith.constant 0 : i32
    return %arg0, %c0_i32 : i32, i32
  }
  func.func @transform_2(%arg0: i32) -> (i32, i32) {
    %c0_i32 = arith.constant 0 : i32
    %c0_i32_0 = arith.constant 0 : i32
    return %arg0, %c0_i32 : i32, i32
  }
  func.func @transform_3(%arg0: i32) -> (i32, i32) {
    %c0_i32 = arith.constant 0 : i32
    %c0_i32_0 = arith.constant 0 : i32
    return %arg0, %c0_i32 : i32, i32
  }
}

module attributes {stable_mosaic.version = 14 : i64} {
  func.func @_combine_body(%arg0: i32, %arg1: memref<2x1024x128xf32, #tpu.memory_space<vmem>>, %arg2: memref<1024x128xf32, #tpu.memory_space<vmem>>, %arg3: memref<1024x1xf32, #tpu.memory_space<vmem>>, %arg4: memref<1024x128xf32, #tpu.memory_space<vmem>>, %arg5: memref<1024x128xf32, #tpu.memory_space<vmem>>) attributes {dimension_semantics = [#tpu.dimension_semantics<arbitrary>], iteration_bounds = array<i64: 10>, scalar_prefetch = 0 : i64, scratch_operands = 0 : i64, tpu.core_type = #tpu.core_type<tc>, window_params = [{transform_indices = @transform_0, window_bounds = array<i64: 2, 1024, 128>}, {transform_indices = @transform_1, window_bounds = array<i64: 1024, 128>}, {transform_indices = @transform_2, window_bounds = array<i64: 1024, 1>}, {transform_indices = @transform_3, window_bounds = array<i64: 1024, 128>}, {transform_indices = @transform_4, window_bounds = array<i64: 1024, 128>}]} {
    %get3A = arith.constant 0 : index
    %get3A_0 = arith.constant 0 : index
    %get3A_1 = arith.constant 0 : index
    %get3A_2 = vector.load %arg1[%get3A, %get3A_0, %get3A_1] : memref<2x1024x128xf32, #tpu.memory_space<vmem>>, vector<1x1024x128xf32>
    %get3A_3 = vector.shape_cast %get3A_2 : vector<1x1024x128xf32> to vector<1024x128xf32>
    %get3A_4 = arith.constant 1 : index
    %get3A_5 = arith.constant 0 : index
    %get3A_6 = arith.constant 0 : index
    %get3A_7 = vector.load %arg1[%get3A_4, %get3A_5, %get3A_6] : memref<2x1024x128xf32, #tpu.memory_space<vmem>>, vector<1x1024x128xf32>
    %get3A_8 = vector.shape_cast %get3A_7 : vector<1x1024x128xf32> to vector<1024x128xf32>
    %add3A = arith.addf %get3A_3, %get3A_8 : vector<1024x128xf32>
    %get3A_9 = arith.constant 0 : index
    %get3A_10 = arith.constant 0 : index
    %get3A_11 = vector.load %arg3[%get3A_9, %get3A_10] : memref<1024x1xf32, #tpu.memory_space<vmem>>, vector<1024x1xf32>
    %get3A_12 = arith.constant 0 : index
    %get3A_13 = arith.constant 0 : index
    %get3A_14 = vector.load %arg2[%get3A_12, %get3A_13] : memref<1024x128xf32, #tpu.memory_space<vmem>>, vector<1024x128xf32>
    %mul3A = vector.broadcast %get3A_11 : vector<1024x1xf32> to vector<1024x128xf32>
    %mul3A_15 = arith.mulf %mul3A, %add3A : vector<1024x128xf32>
    %sub3A = arith.subf %get3A_14, %mul3A_15 : vector<1024x128xf32>
    %swap3A = arith.constant 0 : index
    %swap3A_16 = arith.constant 0 : index
    %swap3A_17 = vector.load %arg4[%swap3A, %swap3A_16] : memref<1024x128xf32, #tpu.memory_space<vmem>>, vector<1024x128xf32>
    tpu.vector_store %arg4[%swap3A, %swap3A_16], %sub3A {strides = array<i32>} : memref<1024x128xf32, #tpu.memory_space<vmem>>, vector<1024x128xf32>,
    %mul3A_18 = vector.broadcast %get3A_11 : vector<1024x1xf32> to vector<1024x128xf32>
    %mul3A_19 = arith.mulf %mul3A_18, %sub3A : vector<1024x128xf32>
    %swap3A_20 = arith.constant 0 : index
    %swap3A_21 = arith.constant 0 : index
    %swap3A_22 = vector.load %arg5[%swap3A_20, %swap3A_21] : memref<1024x128xf32, #tpu.memory_space<vmem>>, vector<1024x128xf32>
    tpu.vector_store %arg5[%swap3A_20, %swap3A_21], %mul3A_19 {strides = array<i32>} : memref<1024x128xf32, #tpu.memory_space<vmem>>, vector<1024x128xf32>,
    return
  }
  func.func @transform_0(%arg0: i32) -> (i32, i32, i32) {
    %c0_i32 = arith.constant 0 : i32
    %c0_i32_0 = arith.constant 0 : i32
    %c0_i32_1 = arith.constant 0 : i32
    return %c0_i32, %arg0, %c0_i32_0 : i32, i32, i32
  }
  func.func @transform_1(%arg0: i32) -> (i32, i32) {
    %c0_i32 = arith.constant 0 : i32
    %c0_i32_0 = arith.constant 0 : i32
    return %arg0, %c0_i32 : i32, i32
  }
  func.func @transform_2(%arg0: i32) -> (i32, i32) {
    %c0_i32 = arith.constant 0 : i32
    %c0_i32_0 = arith.constant 0 : i32
    return %arg0, %c0_i32 : i32, i32
  }
  func.func @transform_3(%arg0: i32) -> (i32, i32) {
    %c0_i32 = arith.constant 0 : i32
    %c0_i32_0 = arith.constant 0 : i32
    return %arg0, %c0_i32 : i32, i32
  }
  func.func @transform_4(%arg0: i32) -> (i32, i32) {
    %c0_i32 = arith.constant 0 : i32
    %c0_i32_0 = arith.constant 0 : i32
    return %arg0, %c0_i32 : i32, i32
  }
}

module attributes {stable_mosaic.version = 14 : i64} {
  func.func @_final_body(%arg0: i32, %arg1: memref<2x1024x128xf32, #tpu.memory_space<vmem>>, %arg2: memref<1024x128xf32, #tpu.memory_space<vmem>>, %arg3: memref<1024x128xf32, #tpu.memory_space<vmem>>, %arg4: memref<1024x1xf32, #tpu.memory_space<vmem>>, %arg5: memref<128x384xf32, #tpu.memory_space<vmem>>, %arg6: memref<1x128xf32, #tpu.memory_space<vmem>>, %arg7: memref<128x128xf32, #tpu.memory_space<vmem>>, %arg8: memref<1x128xf32, #tpu.memory_space<vmem>>, %arg9: memref<1024x128xf32, #tpu.memory_space<vmem>>) attributes {dimension_semantics = [#tpu.dimension_semantics<arbitrary>], iteration_bounds = array<i64: 10>, scalar_prefetch = 0 : i64, scratch_operands = 0 : i64, tpu.core_type = #tpu.core_type<tc>, window_params = [{transform_indices = @transform_0, window_bounds = array<i64: 2, 1024, 128>}, {transform_indices = @transform_1, window_bounds = array<i64: 1024, 128>}, {transform_indices = @transform_2, window_bounds = array<i64: 1024, 128>}, {transform_indices = @transform_3, window_bounds = array<i64: 1024, 1>}, {pipeline_mode = #tpu.pipeline_mode<synchronous>, transform_indices = @transform_4, window_bounds = array<i64: 128, 384>}, {pipeline_mode = #tpu.pipeline_mode<synchronous>, transform_indices = @transform_5, window_bounds = array<i64: 1, 128>}, {pipeline_mode = #tpu.pipeline_mode<synchronous>, transform_indices = @transform_6, window_bounds = array<i64: 128, 128>}, {pipeline_mode = #tpu.pipeline_mode<synchronous>, transform_indices = @transform_7, window_bounds = array<i64: 1, 128>}, {transform_indices = @transform_8, window_bounds = array<i64: 1024, 128>}]} {
    %get3A = arith.constant 0 : index
    %get3A_0 = arith.constant 0 : index
    %get3A_1 = vector.load %arg3[%get3A, %get3A_0] : memref<1024x128xf32, #tpu.memory_space<vmem>>, vector<1024x128xf32>
    %get3A_2 = arith.constant 0 : index
    %get3A_3 = arith.constant 0 : index
    %get3A_4 = vector.load %arg4[%get3A_2, %get3A_3] : memref<1024x1xf32, #tpu.memory_space<vmem>>, vector<1024x1xf32>
    %get3A_5 = arith.constant 0 : index
    %get3A_6 = arith.constant 0 : index
    %get3A_7 = arith.constant 0 : index
    %get3A_8 = vector.load %arg1[%get3A_5, %get3A_6, %get3A_7] : memref<2x1024x128xf32, #tpu.memory_space<vmem>>, vector<1x1024x128xf32>
    %get3A_9 = vector.shape_cast %get3A_8 : vector<1x1024x128xf32> to vector<1024x128xf32>
    %get3A_10 = arith.constant 1 : index
    %get3A_11 = arith.constant 0 : index
    %get3A_12 = arith.constant 0 : index
    %get3A_13 = vector.load %arg1[%get3A_10, %get3A_11, %get3A_12] : memref<2x1024x128xf32, #tpu.memory_space<vmem>>, vector<1x1024x128xf32>
    %get3A_14 = vector.shape_cast %get3A_13 : vector<1x1024x128xf32> to vector<1024x128xf32>
    %add3A = arith.addf %get3A_9, %get3A_14 : vector<1024x128xf32>
    %mul3A = vector.broadcast %get3A_4 : vector<1024x1xf32> to vector<1024x128xf32>
    %mul3A_15 = arith.mulf %mul3A, %add3A : vector<1024x128xf32>
    %sub3A = arith.subf %get3A_1, %mul3A_15 : vector<1024x128xf32>
    %get3A_16 = arith.constant 0 : index
    %get3A_17 = arith.constant 0 : index
    %get3A_18 = vector.load %arg2[%get3A_16, %get3A_17] : memref<1024x128xf32, #tpu.memory_space<vmem>>, vector<1024x128xf32>
    %get3A_19 = arith.constant 0 : index
    %get3A_20 = arith.constant 0 : index
    %get3A_21 = vector.load %arg3[%get3A_19, %get3A_20] : memref<1024x128xf32, #tpu.memory_space<vmem>>, vector<1024x128xf32>
    %mul3A_22 = arith.constant 3.000000e+00 : f32
    %mul3A_23 = vector.broadcast %mul3A_22 : f32 to vector<1024x128xf32>
    %mul3A_24 = arith.mulf %mul3A_23, %get3A_18 : vector<1024x128xf32>
    %mul3A_25 = arith.constant 3.000000e+00 : f32
    %mul3A_26 = vector.broadcast %mul3A_25 : f32 to vector<1024x128xf32>
    %mul3A_27 = arith.mulf %mul3A_26, %get3A_21 : vector<1024x128xf32>
    %sub3A_28 = arith.subf %mul3A_24, %mul3A_27 : vector<1024x128xf32>
    %mul3A_29 = arith.constant 7.500000e-01 : f32
    %mul3A_30 = vector.broadcast %mul3A_29 : f32 to vector<1024x128xf32>
    %mul3A_31 = arith.mulf %mul3A_30, %sub3A : vector<1024x128xf32>
    %add3A_32 = arith.addf %sub3A_28, %mul3A_31 : vector<1024x128xf32>
    %mul3A_33 = arith.constant 3.000000e+00 : f32
    %mul3A_34 = vector.broadcast %mul3A_33 : f32 to vector<1024x128xf32>
    %mul3A_35 = arith.mulf %mul3A_34, %get3A_21 : vector<1024x128xf32>
    %mul3A_36 = arith.constant 1.500000e+00 : f32
    %mul3A_37 = vector.broadcast %mul3A_36 : f32 to vector<1024x128xf32>
    %mul3A_38 = arith.mulf %mul3A_37, %sub3A : vector<1024x128xf32>
    %sub3A_39 = arith.subf %mul3A_35, %mul3A_38 : vector<1024x128xf32>
    %mul3A_40 = arith.constant 7.500000e-01 : f32
    %mul3A_41 = vector.broadcast %mul3A_40 : f32 to vector<1024x128xf32>
    %mul3A_42 = arith.mulf %mul3A_41, %sub3A : vector<1024x128xf32>
    %get3A_43 = arith.constant 0 : index
    %get3A_44 = arith.constant 0 : index
    %get3A_45 = vector.load %arg5[%get3A_43, %get3A_44] : memref<128x384xf32, #tpu.memory_space<vmem>>, vector<128x384xf32>
    %slice3A = vector.extract_strided_slice %get3A_45 {offsets = [0, 0], sizes = [128, 128], strides = [1, 1]} : vector<128x384xf32> to vector<128x128xf32>
    %dot_general3A = arith.constant dense<0.000000e+00> : vector<1024x128xf32>
    %dot_general3A_46 = tpu.matmul %add3A_32, %slice3A, %dot_general3A {dimension_numbers = #tpu.dot_dimension_numbers<[1], [1], [0], [0], [0, 0, 1, 0], [], []>, transpose_lhs_hint = false} : vector<1024x128xf32>, vector<128x128xf32>, vector<1024x128xf32> -> vector<1024x128xf32>
    %slice3A_47 = vector.extract_strided_slice %get3A_45 {offsets = [0, 128], sizes = [128, 128], strides = [1, 1]} : vector<128x384xf32> to vector<128x128xf32>
    %dot_general3A_48 = arith.constant dense<0.000000e+00> : vector<1024x128xf32>
    %dot_general3A_49 = tpu.matmul %sub3A_39, %slice3A_47, %dot_general3A_48 {dimension_numbers = #tpu.dot_dimension_numbers<[1], [1], [0], [0], [0, 0, 1, 0], [], []>, transpose_lhs_hint = false} : vector<1024x128xf32>, vector<128x128xf32>, vector<1024x128xf32> -> vector<1024x128xf32>
    %add3A_50 = arith.addf %dot_general3A_46, %dot_general3A_49 : vector<1024x128xf32>
    %slice3A_51 = vector.extract_strided_slice %get3A_45 {offsets = [0, 256], sizes = [128, 128], strides = [1, 1]} : vector<128x384xf32> to vector<128x128xf32>
    %dot_general3A_52 = arith.constant dense<0.000000e+00> : vector<1024x128xf32>
    %dot_general3A_53 = tpu.matmul %mul3A_42, %slice3A_51, %dot_general3A_52 {dimension_numbers = #tpu.dot_dimension_numbers<[1], [1], [0], [0], [0, 0, 1, 0], [], []>, transpose_lhs_hint = false} : vector<1024x128xf32>, vector<128x128xf32>, vector<1024x128xf32> -> vector<1024x128xf32>
    %add3A_54 = arith.addf %add3A_50, %dot_general3A_53 : vector<1024x128xf32>
    %get3A_55 = arith.constant 0 : index
    %get3A_56 = arith.constant 0 : index
    %get3A_57 = vector.load %arg6[%get3A_55, %get3A_56] : memref<1x128xf32, #tpu.memory_space<vmem>>, vector<1x128xf32>
    %add3A_58 = vector.broadcast %get3A_57 : vector<1x128xf32> to vector<1024x128xf32>
    %add3A_59 = arith.addf %add3A_54, %add3A_58 : vector<1024x128xf32>
    %max3A = arith.constant 0.000000e+00 : f32
    %max3A_60 = vector.broadcast %max3A : f32 to vector<1024x128xf32>
    %max3A_61 = arith.maximumf %add3A_59, %max3A_60 : vector<1024x128xf32>
    %get3A_62 = arith.constant 0 : index
    %get3A_63 = arith.constant 0 : index
    %get3A_64 = vector.load %arg7[%get3A_62, %get3A_63] : memref<128x128xf32, #tpu.memory_space<vmem>>, vector<128x128xf32>
    %dot_general3A_65 = arith.constant dense<0.000000e+00> : vector<1024x128xf32>
    %dot_general3A_66 = tpu.matmul %max3A_61, %get3A_64, %dot_general3A_65 {dimension_numbers = #tpu.dot_dimension_numbers<[1], [1], [0], [0], [0, 0, 1, 0], [], []>, transpose_lhs_hint = false} : vector<1024x128xf32>, vector<128x128xf32>, vector<1024x128xf32> -> vector<1024x128xf32>
    %get3A_67 = arith.constant 0 : index
    %get3A_68 = arith.constant 0 : index
    %get3A_69 = vector.load %arg8[%get3A_67, %get3A_68] : memref<1x128xf32, #tpu.memory_space<vmem>>, vector<1x128xf32>
    %add3A_70 = vector.broadcast %get3A_69 : vector<1x128xf32> to vector<1024x128xf32>
    %add3A_71 = arith.addf %dot_general3A_66, %add3A_70 : vector<1024x128xf32>
    %swap3A = arith.constant 0 : index
    %swap3A_72 = arith.constant 0 : index
    %swap3A_73 = vector.load %arg9[%swap3A, %swap3A_72] : memref<1024x128xf32, #tpu.memory_space<vmem>>, vector<1024x128xf32>
    tpu.vector_store %arg9[%swap3A, %swap3A_72], %add3A_71 {strides = array<i32>} : memref<1024x128xf32, #tpu.memory_space<vmem>>, vector<1024x128xf32>,
    return
  }
  func.func @transform_0(%arg0: i32) -> (i32, i32, i32) {
    %c0_i32 = arith.constant 0 : i32
    %c0_i32_0 = arith.constant 0 : i32
    %c0_i32_1 = arith.constant 0 : i32
    return %c0_i32, %arg0, %c0_i32_0 : i32, i32, i32
  }
  func.func @transform_1(%arg0: i32) -> (i32, i32) {
    %c0_i32 = arith.constant 0 : i32
    %c0_i32_0 = arith.constant 0 : i32
    return %arg0, %c0_i32 : i32, i32
  }
  func.func @transform_2(%arg0: i32) -> (i32, i32) {
    %c0_i32 = arith.constant 0 : i32
    %c0_i32_0 = arith.constant 0 : i32
    return %arg0, %c0_i32 : i32, i32
  }
  func.func @transform_3(%arg0: i32) -> (i32, i32) {
    %c0_i32 = arith.constant 0 : i32
    %c0_i32_0 = arith.constant 0 : i32
    return %arg0, %c0_i32 : i32, i32
  }
  func.func @transform_4(%arg0: i32) -> (i32, i32) {
    %c0_i32 = arith.constant 0 : i32
    %c0_i32_0 = arith.constant 0 : i32
    %c0_i32_1 = arith.constant 0 : i32
    return %c0_i32, %c0_i32_0 : i32, i32
  }
  func.func @transform_5(%arg0: i32) -> (i32, i32) {
    %c0_i32 = arith.constant 0 : i32
    %c0_i32_0 = arith.constant 0 : i32
    %c0_i32_1 = arith.constant 0 : i32
    return %c0_i32, %c0_i32_0 : i32, i32
  }
  func.func @transform_6(%arg0: i32) -> (i32, i32) {
    %c0_i32 = arith.constant 0 : i32
    %c0_i32_0 = arith.constant 0 : i32
    %c0_i32_1 = arith.constant 0 : i32
    return %c0_i32, %c0_i32_0 : i32, i32
  }
  func.func @transform_7(%arg0: i32) -> (i32, i32) {
    %c0_i32 = arith.constant 0 : i32
    %c0_i32_0 = arith.constant 0 : i32
    %c0_i32_1 = arith.constant 0 : i32
    return %c0_i32, %c0_i32_0 : i32, i32
  }
  func.func @transform_8(%arg0: i32) -> (i32, i32) {
    %c0_i32 = arith.constant 0 : i32
    %c0_i32_0 = arith.constant 0 : i32
    return %arg0, %c0_i32 : i32, i32
  }
}

</mosaic_0001>

<sc_bundles>
// kernel: kernel.12.cloned.1.call-start
scs
__scs_entry_jumppad:
0x0: {  	(pc) =	sbr.rel $0x88, $3  }
0x1: {  	(tag) =	ssettag $0x0;
	lr =	simm.s32 $0x1  }
0x2: {  	[smem:$0x3F97] =	sst lr;
	_ =	strace $0xD0000000  }
0x3: {  	_ = 	snop  }
0x4: {  	_ = 	snop  }
0x5: {  	_ = 	snop  }
0x6: {  	_ = 	snop  }
0x7: {  	_ = 	snop  }
__scs_overlays_trampoline_lowered:
0x8: {  	[smem:$0x3FA6] =	sst s0  }
0x9: {  	[smem:$0x3FA7] =	sst s1  }
0xa: {  	[smem:$0x3FA8] =	sst s2  }
0xb: {  	[smem:$0x3FA9] =	sst s3  }
0xc: {  	[smem:$0x3FAA] =	sst s4  }
0xd: {  	[smem:$0x3FAB] =	sst s5  }
0xe: {  	[smem:$0x3FAC] =	sst s6  }
0xf: {  	[smem:$0x3FAD] =	sst s7  }
0x10: {  	[smem:$0x3FAE] =	sst s8  }
0x11: {  	[smem:$0x3FAF] =	sst s9;
	s0 =	simm.s32 @!p0 $0x0  }
0x12: {  	s1 =	sld [smem:$0x3F95];
	s0 =	simm.s32 @p0 $0x1  }
0x13: {  	[smem:$0x3FB0] =	sst s0;
	s0 =	simm.s32 @!p1 $0x0  }
0x14: {  	s2 =	sld [smem:$0x3F94];
	s0 =	simm.s32 @p1 $0x1  }
0x15: {  	[smem:$0x3FB1] =	sst s0;
	s0 =	simm.s32 @!p2 $0x0  }
0x16: {  	s3 =	sld [smem:$0x3FDB];
	s0 =	simm.s32 @p2 $0x1  }
0x17: {  	s4 =	simm.s32 $0x1BF5;
	[smem:$0x3FB3] =	sst s0  }
0x18: {  	s0 =	sld [smem:$0x3F96];
	_ =	swait.ge [sflag:s4], $0x0  }
0x19: {  	s7 =	sld [smem:$0x3F97]  }
0x1a: {  	s8 =	sadd.s32 $0xFFFFE003, lr  }
0x1b: {  	s9 =	sadd.s32 $0xFFFFFEF7, lr;
	s5 =	simm.s32 $0xFFFFFFFF;
	p2 =	slt.u32 s8, $0xFFFFF086  }
0x1c: {  	p1 =	slt.u32 s9, $0xF7A;
	s5 =	simm.s32 @!p2 $0x0  }
0x1d: {  	s5 =	simm.s32 @p1 $0x1;
	p0 =	seq.s32 s7, s2  }
0x1e: {  	s7 =	smul.u32 @!p0 $0xF7A, s2;
	p2 =	seq.s32 @!p0 s5, $0x0  }
0x1f: {  	s9 =	smul.u32 $0xF7A, s1;
	s8 =	simm.s32 @!p0 $0x1BF5;
	p2 =	por !p2, p0  }
0x20: {  	[sflag:s8] =	ssyncset.s32 @!p0 $0xFFFFF086;
	s6 =	sadd.s32 @!p0 s3, s7;
	s7 =	simm.s32 @!p0 $0x108  }
0x21: {  	s3 =	sadd.s32 s3, s9;
	s6 =	sadd.s32 @!p0 $0x88, s6;
	s7 =	simm.s32 @p2 $0x1082  }
0x22: {  	[simem:s7], [sflag:s8] =	dma.local @!p0 [hbm:s6], $0xF7A  }
0x23: {  	s9 =	sor.u32 $0xD0000000, s2;
	s6 =	simm.s32 $0x108;
	_ =	swait.ge @!p0 [sflag:s8], $0x0  }
0x24: {  	s3 =	sadd.s32 $0x88, s3;
	s6 =	simm.s32 @!p1 $0x1082;
	[sflag:s4] =	ssyncset.s32 $0xFFFFF086  }
0x25: {  	[simem:s6], [sflag:s4] =	dma.local [hbm:s3], $0xF7A  }
0x26: {  	[smem:$0x3F97] =	sst s1;
	(tag) =	ssettag s2;
	_ =	strace s9  }
0x27: {  	s1 =	sld [smem:$0x3FA7]  }
0x28: {  	s2 =	sld [smem:$0x3FA8]  }
0x29: {  	s4 =	sld [smem:$0x3FAA]  }
0x2a: {  	p0 =	seq.s32 s5, $0x0;
	s5 =	sld [smem:$0x3FAB]  }
0x2b: {  	s6 =	sld [smem:$0x3FAC]  }
0x2c: {  	s7 =	sld [smem:$0x3FAD]  }
0x2d: {  	s3 =	simm.s32 $0x108;
	s8 =	sld [smem:$0x3FAE]  }
0x2e: {  	s3 =	simm.s32 @!p0 $0x1082;
	s9 =	sld [smem:$0x3FAF]  }
0x2f: {  	lr =	sadd.s32 s0, s3;
	s0 =	sld [smem:$0x3FA6]  }
0x30: {  	s3 =	sld [smem:$0x3FA9]  }
0x31: {  	[smem:$0x3FB2] =	sst s10  }
0x32: {  	s10 =	sld [smem:$0x3FB0];
	_ =	sdelay $0x3  }
0x33: {  	p0 =	seq.s32 s10, $0x1;
	s10 =	sld [smem:$0x3FB2];
	_ =	sdelay $0x3  }
0x34: {  	[smem:$0x3FB2] =	sst s10  }
0x35: {  	s10 =	sld [smem:$0x3FB1];
	_ =	sdelay $0x3  }
0x36: {  	p1 =	seq.s32 s10, $0x1;
	s10 =	sld [smem:$0x3FB2];
	_ =	sdelay $0x3  }
0x37: {  	[smem:$0x3FB2] =	sst s10  }
0x38: {  	s10 =	sld [smem:$0x3FB3]  }
0x39: {  	_ = 	snop;
	(pc) =	sbr.ind lr, $3  }
0x3a: {  	_ = 	snop  }
0x3b: {  	_ = 	snop  }
0x3c: {  	p2 =	seq.s32 s10, $0x1;
	s10 =	sld [smem:$0x3FB2]  }
0x3d: {  	_ =	shalt  }
0x3e: {  	_ =	shalt  }
0x3f: {  	_ =	shalt  }
0x40: {  	_ =	shalt  }
0x41: {  	_ =	shalt  }
0x42: {  	_ =	shalt  }
0x43: {  	_ =	shalt  }
0x44: {  	_ =	shalt  }
0x45: {  	_ =	shalt  }
0x46: {  	_ =	shalt  }
0x47: {  	_ =	shalt  }
0x48: {  	_ =	shalt  }
0x49: {  	_ =	shalt  }
0x4a: {  	_ =	shalt  }
0x4b: {  	_ =	shalt  }
0x4c: {  	_ =	shalt  }
0x4d: {  	_ =	shalt  }
0x4e: {  	_ =	shalt  }
0x4f: {  	_ =	shalt  }
0x50: {  	_ =	shalt  }
0x51: {  	_ =	shalt  }
0x52: {  	_ =	shalt  }
0x53: {  	_ =	shalt  }
0x54: {  	_ =	shalt  }
0x55: {  	_ =	shalt  }
0x56: {  	_ =	shalt  }
0x57: {  	_ =	shalt  }
0x58: {  	_ =	shalt  }
0x59: {  	_ =	shalt  }
0x5a: {  	_ =	shalt  }
0x5b: {  	_ =	shalt  }
0x5c: {  	_ =	shalt  }
0x5d: {  	_ =	shalt  }
0x5e: {  	_ =	shalt  }
0x5f: {  	_ =	shalt  }
0x60: {  	_ =	shalt  }
0x61: {  	_ =	shalt  }
0x62: {  	_ =	shalt  }
0x63: {  	_ =	shalt  }
0x64: {  	_ =	shalt  }
0x65: {  	_ =	shalt  }
0x66: {  	_ =	shalt  }
0x67: {  	_ =	shalt  }
0x68: {  	_ =	shalt  }
0x69: {  	_ =	shalt  }
0x6a: {  	_ =	shalt  }
0x6b: {  	_ =	shalt  }
0x6c: {  	_ =	shalt  }
0x6d: {  	_ =	shalt  }
0x6e: {  	_ =	shalt  }
0x6f: {  	_ =	shalt  }
0x70: {  	_ =	shalt  }
0x71: {  	_ =	shalt  }
0x72: {  	_ =	shalt  }
0x73: {  	_ =	shalt  }
0x74: {  	_ =	shalt  }
0x75: {  	_ =	shalt  }
0x76: {  	_ =	shalt  }
0x77: {  	_ =	shalt  }
0x78: {  	_ =	shalt  }
0x79: {  	_ =	shalt  }
0x7a: {  	_ =	shalt  }
0x7b: {  	_ =	shalt  }
0x7c: {  	_ =	shalt  }
0x7d: {  	_ =	shalt  }
0x7e: {  	_ =	shalt  }
0x7f: {  	_ =	shalt  }
0x80: {  	_ =	shalt  }
0x81: {  	_ =	shalt  }
0x82: {  	_ =	shalt  }
0x83: {  	_ =	shalt  }
0x84: {  	_ =	shalt  }
0x85: {  	_ =	shalt  }
0x86: {  	_ =	shalt  }
0x87: {  	_ =	shalt  }
.Lfunc_end0:
.L_simem_size_0:
called_computation.1_lowered:
.L_overlay_start_0:
0x88: {  	s2 =	sld [smem:$0x3FD9]  }
0x89: {  	s3 =	sld [smem:$0x3FFE];
	_ =	sdelay $0x1  }
0x8a: {  	s1 =	srdreg.scid  }
0x8b: {  	s0 =	sand.u32 $0x1, s1  }
0x8c: {  	s16 =	sshll.u32 s0, $0xA;
	s2 =	sadd.s32 s3, s2  }
0x8d: {  	s2 =	sadd.s32 s2, s16  }
0x8e: {  	[smem:$0x3FBE] =	sst s2  }
0x8f: {  	_ = 	snop  }
0x90: {  	(tm) =	ssettm $0x1  }
0x91: {  	s17 =	sld [smem:$0x3FFB];
	_ =	sdelay $0x3  }
0x92: {  	_ =	strace s17  }
0x93: {  	s2 =	sld [smem:$0x3FFC];
	_ =	sdelay $0x3  }
0x94: {  	_ =	strace s2  }
0x95: {  	s2 =	sld [smem:$0x3FFD];
	_ =	sdelay $0x3  }
0x96: {  	_ =	strace s2  }
0x97: {  	_ =	strace $0x8FFFFFFF  }
0x98: {  	s18 =	sld [smem:$0x3FDB];
	_ =	sdelay $0x1  }
0x99: {  	s19 =	simm.s32 $_scs_section_size  }
0x9a: {  	s4 =	simm.s32 $_size__tile_overlayer_lowered;
	s5 =	simm.s32 $_tile_overlayer_lowered  }
0x9b: {  	s22 =	simm.s32 $0x1BFF;
	s21 =	sshll.u32 s5, $0x1;
	s2 =	sadd.s32 s19, s18  }
0x9c: {  	s6 =	simm.s32 $0x0;
	s20 =	sshll.u32 s4, $0x1;
	s4 =	sadd.s32 s21, s2  }
0x9d: {  	[timem:s6], [sflag:s22] =	dma.local [hbm:s4], s20  }
0x9e: {  	_ =	swait.ge [sflag:s22], s20  }
0x9f: {  	s3 =	ssub.s32 $0x0, s20;
	[sflag:s22] =	ssyncset.done $0x0  }
0xa0: {  	[sflag:s22] =	ssyncadd.s32 s3;
	_ =	sdelay $0x1  }
0xa1: {  	s23 =	simm.s32 $0x1B8B  }
0xa2: {  	_ =	swait.ge [sflag:s23], $0x1  }
0xa3: {  	[sflag:s23] =	ssyncset.done $0x0  }
0xa4: {  	s25 =	simm.s32 $0x1B8E;
	s24 =	sld [smem:$0x3FFE];
	[sflag:s23] =	ssyncadd.s32 $0xFFFFFFFF  }
0xa5: {  	s26 =	simm.s32 $execute0_lowered;
	[smem:$0x3FD2] =	sst s25  }
0xa6: {  	s4 =	sshll.u32 s26, $0x1;
	_ =	strace $0x80000049;
	[dreg:$0x1] =	wrdreg $0xFFFFFFFF  }
0xa7: {  	s28 =	simm.s32 $_size_execute0_lowered;
	s2 =	sadd.s32 s2, s4;
	[dreg:$0x0] =	wrdreg $0x0  }
0xa8: {  	s4 =	sshll.u32 s28, $0x1;
	[dreg:$0x2] =	wrdreg s2  }
0xa9: {  	[dreg:$0x3] =	wrdreg s4  }
0xaa: {  	[dreg:$0x4] =	wrdreg $0xC0  }
0xab: {  	_ =	task [dreg:s6], $0x5FFFF  }
0xac: {  	[dreg:$0x1] =	wrdreg $0xFFFFFFFF  }
0xad: {  	[dreg:$0x0] =	wrdreg $0x60  }
0xae: {  	[dreg:$0x2] =	wrdreg s24  }
0xaf: {  	[dreg:$0x3] =	wrdreg $0x90000  }
0xb0: {  	[dreg:$0x4] =	wrdreg $0x9  }
0xb1: {  	_ =	task.clear_ibuf [dreg:s6], $0x5FFFF;
	_ =	strace $0x90000049  }
0xb2: {  	s29 =	simm.s32 $0x9;
	_ =	strace $0x8000004B  }
0xb3: {  	_ =	swait.ge [sflag:s29], $0x1  }
0xb4: {  	[sflag:s29] =	ssyncadd.s32 $0xFFFFFFFF  }
0xb5: {  	_ =	strace $0x9000004B  }
0xb6: {  	_ =	sfence  }
0xb7: {  	s30 =	sld [smem:$0x0];
	_ =	sdelay $0x2  }
0xb8: {  	s31 =	sshll.u32 s1, $0xD;
	s1 =	sshrl.u32 s1, $0x2  }
0xb9: {  	s3 =	sand.u32 $0x4000, s31;
	s1 =	sadd.s32 s1, s30  }
0xba: {  	s0 =	sor.u32 s3, s0;
	s1 =	sshll.u32 s1, $0x11  }
0xbb: {  	s0 =	sor.u32 s1, s0  }
0xbc: {  	s0 =	sadd.s32 $0x8F2B, s0  }
0xbd: {  	[sflag:s0] =	ssyncadd.remote.s32 $0x1  }
0xbe: {  	_ =	sfence.sel $0xFFFF  }
0xbf: {  	[dreg:$0x0] =	wrdreg $0xFFFFFFFF;
	(pc) =	sbr.abs _section_cstart, $3  }
0xc0: {  	[dreg:$0x1] =	wrdreg $0xFFFFFFFF  }
0xc1: {  	_ =	task.clear_ibuf [dreg:s6], $0x2FFFF;
	_ =	strace $0x9FFFFFFF  }
0xc2: {  	(tm) =	ssettm $0x7FFFFFFF  }
0xc3: {  	_ =	shalt  }
tec
execute0_lowered:
.L_overlay_start_1:
0x0: {  	(tag) =	ssettag $0x1  }
0x1: {  	s5 =	rddreg [dreg:$0x0]  }
0x2: {  	s2 =	rddreg [dreg:$0x1]  }
0x3: {  	s0 =	rddreg [dreg:$0x2]  }
0x4: {  	s3 =	simm.s32 $0x0;
	s1 =	stileid.u32;
	s4 =	srdreg.scid  }
0x5: {  	s14 =	simm.s32 $0x5000;
	s15 =	simm.s32 $0x7000;
	s16 =	simm.s32 $0x1  }
0x6: {  	s17 =	simm.s32 $0x2;
	s18 =	simm.s32 $0x0;
	[smem:$0x7FF] =	sst s3  }
0x7: {  	s6 =	smul.u32 $0x14000, s1;
	s7 =	sand.u32 $0x1, s4;
	s8 =	sshll.u32 s1, $0x1  }
0x8: {  	s4 =	sadd.s32 $0x16E00, s5;
	s28 =	smul.u32 $0x50000, s1;
	s31 =	sshll.u32 s1, $0x6  }
0x9: {  	_ =	strace $0x8000004A;
	s9 =	smul.u32 $0x140000, s7;
	s8 =	sor.u32 s7, s8  }
0xa: {  	s7 =	ssub.s32 $0x2, s7;
	s10 =	sshrl.u32 s6, $0x3;
	s8 =	smul.u32 $0x500, s8  }
0xb: {  	s29 =	sshrl.u32 s7, $0x1;
	s30 =	sshrl.u32 s28, $0x2;
	s6 =	sadd.s32 s6, s9  }
0xc: {  	s10 =	sadd.s32 s10, s5;
	s12 =	ssub.s32 s7, s29;
	s6 =	sshrl.u32 s6, $0x3  }
0xd: {  	s13 =	sadd.s32 s30, s2;
	s8 =	sadd.s32 s8, s5;
	s11 =	sadd.s32 s6, s5  }
0xe: {  	s5 =	sadd.s32 $0x3EE00, s10;
	s6 =	sor.u32 $0x1C03, s31;
	s7 =	sadd.s32 $0xCE00, s8  }
0xf: {  	s8 =	sadd.s32 $0x2400, s8;
	s10 =	smax.u32 s12, $0x1;
	s12 =	simm.s32 $0x3  }
0x10: {  	s9 =	sadd.s32 $0x66E00, s11;
	s11 =	sshrl.u32 s13, $0x3;
	s13 =	simm.s32 $0x40  }
.LBB2_1:
0x11: {  	[spmem:s11], [sflag:s6] =	dma.local [hbm:s5], $0x2800  }
0x12: {  	_ =	swait.ge [sflag:s12], $0x2800  }
0x13: {  	[sflag:s12] =	ssyncset.done $0x0  }
0x14: {  	[sflag:s12] =	ssyncadd.s32 $0xFFFFD800  }
0x15: {  	[tilespmem:s3], [sflag:$0x3] =	stream.linear.gather [hbm4b:s7+s3], $0x2780, $0x38;
	[tilespmem:$0x1D000] =	vst v63  }
0x16: {  	_ =	swait.ge [sflag:s12], $0x2780  }
0x17: {  	[sflag:s12] =	ssyncset.done $0x0  }
0x18: {  	s19 =	simm.s32 $0x2800;
	[sflag:s12] =	ssyncadd.s32 $0xFFFFD880  }
0x19: {  	[tilespmem:s19], [sflag:$0x3] =	stream.linear.gather [hbm4b:s8+s3], $0x2780, $0x38;
	[tilespmem:$0x1D000] =	vst v63  }
0x1a: {  	_ =	swait.ge [sflag:s12], $0x2780  }
0x1b: {  	[sflag:s12] =	ssyncset.done $0x0  }
0x1c: {  	[sflag:s12] =	ssyncadd.s32 $0xFFFFD880  }
0x1d: {  	[bflag:$0x0] =	sbarrier.arrive $0xFFFF  }
0x1e: {  	[tilespmem:s14], [sflag:$0x1] =	stream.indirect.gather [hbm4b:s4+s13], $0x80, s3, s13, $0xb8;
	[tilespmem:$0x1D000] =	vst v63  }
0x1f: {  	_ = 	snop  }
0x20: {  	[tilespmem:s15], [sflag:$0x2] =	stream.indirect.gather [hbm4b:s4+s13], $0x80, s13, s13, $0xb8;
	[tilespmem:$0x1D000] =	vst v63  }
0x21: {  	_ =	swait.ge [sflag:s16], $0x2000  }
0x22: {  	[sflag:s16] =	ssyncset.done $0x0  }
0x23: {  	[sflag:s16] =	ssyncadd.s32 $0xFFFFE000  }
0x24: {  	[spmem:s2] =	stream.indirect.scatter.add.f32 [tilespmem:s14], [sflag:$0x3], $0x80, s19, s13, $0xb8;
	[tilespmem:$0x1D000] =	vst v63  }
0x25: {  	_ =	swait.ge [sflag:s12], $0x2000  }
0x26: {  	s30 =	smin.u32 s16, $0x4E;
	[sflag:s12] =	ssyncset.done $0x0  }
0x27: {  	s20 =	sshll.u32 s30, $0x7;
	[sflag:s12] =	ssyncadd.s32 $0xFFFFE000  }
0x28: {  	[tilespmem:s14], [sflag:$0x1] =	stream.indirect.gather [hbm4b:s4+s13], $0x80, s20, s13, $0xb8;
	[tilespmem:$0x1D000] =	vst v63  }
0x29: {  	_ =	swait.ge [sflag:s17], $0x2000  }
0x2a: {  	[sflag:s17] =	ssyncset.done $0x0  }
0x2b: {  	s31 =	simm.s32 $0x2840;
	[sflag:s17] =	ssyncadd.s32 $0xFFFFE000  }
0x2c: {  	[spmem:s2] =	stream.indirect.scatter.add.f32 [tilespmem:s15], [sflag:$0x3], $0x80, s31, s13, $0xb8;
	[tilespmem:$0x1D000] =	vst v63  }
0x2d: {  	_ =	swait.ge [sflag:s12], $0x2000  }
0x2e: {  	s21 =	sor.u32 $0x40, s20;
	[sflag:s12] =	ssyncset.done $0x0  }
0x2f: {  	s19 =	simm.s32 $0x2;
	s20 =	simm.s32 $0x2880;
	[sflag:s12] =	ssyncadd.s32 $0xFFFFE000  }
.LBB2_2:
0x30: {  	[tilespmem:s15], [sflag:$0x2] =	stream.indirect.gather [hbm4b:s4+s13], $0x80, s21, s13, $0xb8;
	[tilespmem:$0x1D000] =	vst v63  }
0x31: {  	s21 =	smov.u32 s19  }
0x32: {  	p0 =	sne.s32 s19, $0x4F;
	s19 =	sadd.s32 $0x1, s19;
	_ =	swait.ge [sflag:s16], $0x2000  }
0x33: {  	[sflag:s16] =	ssyncset.done $0x0  }
0x34: {  	[sflag:s16] =	ssyncadd.s32 $0xFFFFE000  }
0x35: {  	[spmem:s2] =	stream.indirect.scatter.add.f32 [tilespmem:s14], [sflag:$0x3], $0x80, s20, s13, $0xb8;
	[tilespmem:$0x1D000] =	vst v63  }
0x36: {  	_ =	swait.ge [sflag:s12], $0x2000  }
0x37: {  	s21 =	smin.u32 s21, $0x4E;
	[sflag:s12] =	ssyncset.done $0x0  }
0x38: {  	s21 =	sshll.u32 s21, $0x7;
	[sflag:s12] =	ssyncadd.s32 $0xFFFFE000  }
0x39: {  	[tilespmem:s14], [sflag:$0x1] =	stream.indirect.gather [hbm4b:s4+s13], $0x80, s21, s13, $0xb8;
	[tilespmem:$0x1D000] =	vst v63  }
0x3a: {  	_ =	swait.ge [sflag:s17], $0x2000  }
0x3b: {  	[sflag:s17] =	ssyncset.done $0x0  }
.Ltmp0:
0x3c: {  	s22 =	sadd.s32 $0x40, s20;
	[sflag:s17] =	ssyncadd.s32 $0xFFFFE000;
	(pc) =	sbr.rel @p0 .LBB2_2-.Ltmp0, $4  }
0x3d: {  	[spmem:s2] =	stream.indirect.scatter.add.f32 [tilespmem:s15], [sflag:$0x3], $0x80, s22, s13, $0xb8;
	[tilespmem:$0x1D000] =	vst v63  }
0x3e: {  	_ =	swait.ge [sflag:s12], $0x2000  }
0x3f: {  	[sflag:s12] =	ssyncset.done $0x0  }
0x40: {  	s20 =	sadd.s32 $0x80, s20;
	s21 =	sor.u32 $0x40, s21;
	[sflag:s12] =	ssyncadd.s32 $0xFFFFE000  }
0x41: {  	[tilespmem:s15], [sflag:$0x2] =	stream.indirect.gather [hbm4b:s4+s13], $0x80, s21, s13, $0xb8;
	[tilespmem:$0x1D000] =	vst v63  }
0x42: {  	_ =	swait.ge [sflag:s16], $0x2000  }
0x43: {  	[sflag:s16] =	ssyncset.done $0x0  }
0x44: {  	[sflag:s16] =	ssyncadd.s32 $0xFFFFE000  }
0x45: {  	_ =	swait.ge [sflag:s17], $0x2000  }
0x46: {  	s18 =	sadd.s32 $0x1, s18;
	[sflag:s17] =	ssyncset.done $0x0  }
0x47: {  	p0 =	sne.s32 s18, s10;
	[sflag:s17] =	ssyncadd.s32 $0xFFFFE000  }
.Ltmp1:
0x48: {  	[bflag:$0x0] =	sbarrier.arrive $0xFFFF;
	(pc) =	sbr.rel @p0 .LBB2_1-.Ltmp1, $4  }
0x49: {  	[hbm:s9], [sflag:s6] =	dma.local [spmem:s11], $0x2800  }
0x4a: {  	_ =	swait.ge [sflag:s12], $0x2800  }
0x4b: {  	[sflag:s12] =	ssyncset.done $0x0  }
0x4c: {  	[sflag:s12] =	ssyncadd.s32 $0xFFFFD800  }
0x4d: {  	_ =	sfence.sel $0x180000  }
0x4e: {  	[bflag:$0x0] =	sbarrier.arrive $0xFFFF  }
0x4f: {  	p0 =	sne.s32 s1, $0x0;
	_ =	strace $0x9000004A  }
0x50: {  	s0 =	sadd.s32 @!p0 $0x100000, s0;
	[bflag:$0x2] =	sbarrier.arrive $0xFFFF  }
0x51: {  	[sflag:s0] =	ssyncadd.tile.s32 @!p0 $0x1;
	_ =	shalt  }
.Lfunc_end2:
_tile_overlayer_lowered:
.L_overlay_start_2:
0x52: {  	(tag) =	ssettag $0x2  }
0x53: {  	s0 =	rddreg [dreg:$0x0];
	s2 =	stileid.u32  }
0x54: {  	s1 =	rddreg [dreg:$0x1];
	p0 =	sne.s32 s2, $0x0  }
0x55: {  	s3 =	rddreg [dreg:$0x2];
	[bflag:$0x3] =	sbarrier.arrive $0xFFFF;
	s2 =	simm.s32 @!p0 $0x1C03  }
0x56: {  	[timem:s3], [sflag:s2] =	dma.local @!p0 [hbm:s0], s1  }
0x57: {  	s0 =	simm.s32 @!p0 $0x3  }
0x58: {  	_ =	swait.ge @!p0 [sflag:s0], s1  }
0x59: {  	s1 =	ssub.s32 @!p0 $0x0, s1;
	[sflag:s0] =	ssyncset.done @!p0 $0x0  }
0x5a: {  	[sflag:s0] =	ssyncadd.s32 @!p0 s1  }
0x5b: {  	[bflag:$0x3] =	sbarrier.arrive $0xFFFF  }
0x5c: {  	_ =	shalt  }

// kernel: kernel.15.cloned.1.call-start
scs
__scs_entry_jumppad:
0x0: {  	(pc) =	sbr.rel $0x88, $3  }
0x1: {  	(tag) =	ssettag $0x0;
	lr =	simm.s32 $0x1  }
0x2: {  	[smem:$0x3F97] =	sst lr;
	_ =	strace $0xD0000000  }
0x3: {  	_ = 	snop  }
0x4: {  	_ = 	snop  }
0x5: {  	_ = 	snop  }
0x6: {  	_ = 	snop  }
0x7: {  	_ = 	snop  }
__scs_overlays_trampoline_lowered:
0x8: {  	[smem:$0x3FA6] =	sst s0  }
0x9: {  	[smem:$0x3FA7] =	sst s1  }
0xa: {  	[smem:$0x3FA8] =	sst s2  }
0xb: {  	[smem:$0x3FA9] =	sst s3  }
0xc: {  	[smem:$0x3FAA] =	sst s4  }
0xd: {  	[smem:$0x3FAB] =	sst s5  }
0xe: {  	[smem:$0x3FAC] =	sst s6  }
0xf: {  	[smem:$0x3FAD] =	sst s7  }
0x10: {  	[smem:$0x3FAE] =	sst s8  }
0x11: {  	[smem:$0x3FAF] =	sst s9;
	s0 =	simm.s32 @!p0 $0x0  }
0x12: {  	s1 =	sld [smem:$0x3F95];
	s0 =	simm.s32 @p0 $0x1  }
0x13: {  	[smem:$0x3FB0] =	sst s0;
	s0 =	simm.s32 @!p1 $0x0  }
0x14: {  	s2 =	sld [smem:$0x3F94];
	s0 =	simm.s32 @p1 $0x1  }
0x15: {  	[smem:$0x3FB1] =	sst s0;
	s0 =	simm.s32 @!p2 $0x0  }
0x16: {  	s3 =	sld [smem:$0x3FDB];
	s0 =	simm.s32 @p2 $0x1  }
0x17: {  	s4 =	simm.s32 $0x1BF5;
	[smem:$0x3FB3] =	sst s0  }
0x18: {  	s0 =	sld [smem:$0x3F96];
	_ =	swait.ge [sflag:s4], $0x0  }
0x19: {  	s7 =	sld [smem:$0x3F97]  }
0x1a: {  	s8 =	sadd.s32 $0xFFFFE003, lr  }
0x1b: {  	s9 =	sadd.s32 $0xFFFFFEF7, lr;
	s5 =	simm.s32 $0xFFFFFFFF;
	p2 =	slt.u32 s8, $0xFFFFF086  }
0x1c: {  	p1 =	slt.u32 s9, $0xF7A;
	s5 =	simm.s32 @!p2 $0x0  }
0x1d: {  	s5 =	simm.s32 @p1 $0x1;
	p0 =	seq.s32 s7, s2  }
0x1e: {  	s7 =	smul.u32 @!p0 $0xF7A, s2;
	p2 =	seq.s32 @!p0 s5, $0x0  }
0x1f: {  	s9 =	smul.u32 $0xF7A, s1;
	s8 =	simm.s32 @!p0 $0x1BF5;
	p2 =	por !p2, p0  }
0x20: {  	[sflag:s8] =	ssyncset.s32 @!p0 $0xFFFFF086;
	s6 =	sadd.s32 @!p0 s3, s7;
	s7 =	simm.s32 @!p0 $0x108  }
0x21: {  	s3 =	sadd.s32 s3, s9;
	s6 =	sadd.s32 @!p0 $0x88, s6;
	s7 =	simm.s32 @p2 $0x1082  }
0x22: {  	[simem:s7], [sflag:s8] =	dma.local @!p0 [hbm:s6], $0xF7A  }
0x23: {  	s9 =	sor.u32 $0xD0000000, s2;
	s6 =	simm.s32 $0x108;
	_ =	swait.ge @!p0 [sflag:s8], $0x0  }
0x24: {  	s3 =	sadd.s32 $0x88, s3;
	s6 =	simm.s32 @!p1 $0x1082;
	[sflag:s4] =	ssyncset.s32 $0xFFFFF086  }
0x25: {  	[simem:s6], [sflag:s4] =	dma.local [hbm:s3], $0xF7A  }
0x26: {  	[smem:$0x3F97] =	sst s1;
	(tag) =	ssettag s2;
	_ =	strace s9  }
0x27: {  	s1 =	sld [smem:$0x3FA7]  }
0x28: {  	s2 =	sld [smem:$0x3FA8]  }
0x29: {  	s4 =	sld [smem:$0x3FAA]  }
0x2a: {  	p0 =	seq.s32 s5, $0x0;
	s5 =	sld [smem:$0x3FAB]  }
0x2b: {  	s6 =	sld [smem:$0x3FAC]  }
0x2c: {  	s7 =	sld [smem:$0x3FAD]  }
0x2d: {  	s3 =	simm.s32 $0x108;
	s8 =	sld [smem:$0x3FAE]  }
0x2e: {  	s3 =	simm.s32 @!p0 $0x1082;
	s9 =	sld [smem:$0x3FAF]  }
0x2f: {  	lr =	sadd.s32 s0, s3;
	s0 =	sld [smem:$0x3FA6]  }
0x30: {  	s3 =	sld [smem:$0x3FA9]  }
0x31: {  	[smem:$0x3FB2] =	sst s10  }
0x32: {  	s10 =	sld [smem:$0x3FB0];
	_ =	sdelay $0x3  }
0x33: {  	p0 =	seq.s32 s10, $0x1;
	s10 =	sld [smem:$0x3FB2];
	_ =	sdelay $0x3  }
0x34: {  	[smem:$0x3FB2] =	sst s10  }
0x35: {  	s10 =	sld [smem:$0x3FB1];
	_ =	sdelay $0x3  }
0x36: {  	p1 =	seq.s32 s10, $0x1;
	s10 =	sld [smem:$0x3FB2];
	_ =	sdelay $0x3  }
0x37: {  	[smem:$0x3FB2] =	sst s10  }
0x38: {  	s10 =	sld [smem:$0x3FB3]  }
0x39: {  	_ = 	snop;
	(pc) =	sbr.ind lr, $3  }
0x3a: {  	_ = 	snop  }
0x3b: {  	_ = 	snop  }
0x3c: {  	p2 =	seq.s32 s10, $0x1;
	s10 =	sld [smem:$0x3FB2]  }
0x3d: {  	_ =	shalt  }
0x3e: {  	_ =	shalt  }
0x3f: {  	_ =	shalt  }
0x40: {  	_ =	shalt  }
0x41: {  	_ =	shalt  }
0x42: {  	_ =	shalt  }
0x43: {  	_ =	shalt  }
0x44: {  	_ =	shalt  }
0x45: {  	_ =	shalt  }
0x46: {  	_ =	shalt  }
0x47: {  	_ =	shalt  }
0x48: {  	_ =	shalt  }
0x49: {  	_ =	shalt  }
0x4a: {  	_ =	shalt  }
0x4b: {  	_ =	shalt  }
0x4c: {  	_ =	shalt  }
0x4d: {  	_ =	shalt  }
0x4e: {  	_ =	shalt  }
0x4f: {  	_ =	shalt  }
0x50: {  	_ =	shalt  }
0x51: {  	_ =	shalt  }
0x52: {  	_ =	shalt  }
0x53: {  	_ =	shalt  }
0x54: {  	_ =	shalt  }
0x55: {  	_ =	shalt  }
0x56: {  	_ =	shalt  }
0x57: {  	_ =	shalt  }
0x58: {  	_ =	shalt  }
0x59: {  	_ =	shalt  }
0x5a: {  	_ =	shalt  }
0x5b: {  	_ =	shalt  }
0x5c: {  	_ =	shalt  }
0x5d: {  	_ =	shalt  }
0x5e: {  	_ =	shalt  }
0x5f: {  	_ =	shalt  }
0x60: {  	_ =	shalt  }
0x61: {  	_ =	shalt  }
0x62: {  	_ =	shalt  }
0x63: {  	_ =	shalt  }
0x64: {  	_ =	shalt  }
0x65: {  	_ =	shalt  }
0x66: {  	_ =	shalt  }
0x67: {  	_ =	shalt  }
0x68: {  	_ =	shalt  }
0x69: {  	_ =	shalt  }
0x6a: {  	_ =	shalt  }
0x6b: {  	_ =	shalt  }
0x6c: {  	_ =	shalt  }
0x6d: {  	_ =	shalt  }
0x6e: {  	_ =	shalt  }
0x6f: {  	_ =	shalt  }
0x70: {  	_ =	shalt  }
0x71: {  	_ =	shalt  }
0x72: {  	_ =	shalt  }
0x73: {  	_ =	shalt  }
0x74: {  	_ =	shalt  }
0x75: {  	_ =	shalt  }
0x76: {  	_ =	shalt  }
0x77: {  	_ =	shalt  }
0x78: {  	_ =	shalt  }
0x79: {  	_ =	shalt  }
0x7a: {  	_ =	shalt  }
0x7b: {  	_ =	shalt  }
0x7c: {  	_ =	shalt  }
0x7d: {  	_ =	shalt  }
0x7e: {  	_ =	shalt  }
0x7f: {  	_ =	shalt  }
0x80: {  	_ =	shalt  }
0x81: {  	_ =	shalt  }
0x82: {  	_ =	shalt  }
0x83: {  	_ =	shalt  }
0x84: {  	_ =	shalt  }
0x85: {  	_ =	shalt  }
0x86: {  	_ =	shalt  }
0x87: {  	_ =	shalt  }
.Lfunc_end0:
.L_simem_size_0:
called_computation.2_lowered:
.L_overlay_start_0:
0x88: {  	s2 =	sld [smem:$0x3FD9]  }
0x89: {  	s3 =	sld [smem:$0x3FFE];
	_ =	sdelay $0x1  }
0x8a: {  	s1 =	srdreg.scid  }
0x8b: {  	s0 =	sand.u32 $0x1, s1  }
0x8c: {  	s16 =	sshll.u32 s0, $0xA;
	s2 =	sadd.s32 s3, s2  }
0x8d: {  	s2 =	sadd.s32 s2, s16  }
0x8e: {  	[smem:$0x3FBE] =	sst s2  }
0x8f: {  	_ = 	snop  }
0x90: {  	(tm) =	ssettm $0x1  }
0x91: {  	s17 =	sld [smem:$0x3FFB];
	_ =	sdelay $0x3  }
0x92: {  	_ =	strace s17  }
0x93: {  	s2 =	sld [smem:$0x3FFC];
	_ =	sdelay $0x3  }
0x94: {  	_ =	strace s2  }
0x95: {  	s2 =	sld [smem:$0x3FFD];
	_ =	sdelay $0x3  }
0x96: {  	_ =	strace s2  }
0x97: {  	_ =	strace $0x8FFFFFFF  }
0x98: {  	s18 =	sld [smem:$0x3FDB];
	_ =	sdelay $0x1  }
0x99: {  	s19 =	simm.s32 $_scs_section_size  }
0x9a: {  	s4 =	simm.s32 $_size__tile_overlayer_lowered;
	s5 =	simm.s32 $_tile_overlayer_lowered  }
0x9b: {  	s22 =	simm.s32 $0x1BFF;
	s21 =	sshll.u32 s5, $0x1;
	s2 =	sadd.s32 s19, s18  }
0x9c: {  	s6 =	simm.s32 $0x0;
	s20 =	sshll.u32 s4, $0x1;
	s4 =	sadd.s32 s21, s2  }
0x9d: {  	[timem:s6], [sflag:s22] =	dma.local [hbm:s4], s20  }
0x9e: {  	_ =	swait.ge [sflag:s22], s20  }
0x9f: {  	s3 =	ssub.s32 $0x0, s20;
	[sflag:s22] =	ssyncset.done $0x0  }
0xa0: {  	[sflag:s22] =	ssyncadd.s32 s3;
	_ =	sdelay $0x1  }
0xa1: {  	s23 =	simm.s32 $0x1B8B  }
0xa2: {  	_ =	swait.ge [sflag:s23], $0x1  }
0xa3: {  	[sflag:s23] =	ssyncset.done $0x0  }
0xa4: {  	s25 =	simm.s32 $0x1B8E;
	s24 =	sld [smem:$0x3FFE];
	[sflag:s23] =	ssyncadd.s32 $0xFFFFFFFF  }
0xa5: {  	s26 =	simm.s32 $execute0_lowered;
	[smem:$0x3FD2] =	sst s25  }
0xa6: {  	s4 =	sshll.u32 s26, $0x1;
	_ =	strace $0x8000004C;
	[dreg:$0x1] =	wrdreg $0xFFFFFFFF  }
0xa7: {  	s28 =	simm.s32 $_size_execute0_lowered;
	s2 =	sadd.s32 s2, s4;
	[dreg:$0x0] =	wrdreg $0x0  }
0xa8: {  	s4 =	sshll.u32 s28, $0x1;
	[dreg:$0x2] =	wrdreg s2  }
0xa9: {  	[dreg:$0x3] =	wrdreg s4  }
0xaa: {  	[dreg:$0x4] =	wrdreg $0xC0  }
0xab: {  	_ =	task [dreg:s6], $0x5FFFF  }
0xac: {  	[dreg:$0x1] =	wrdreg $0xFFFFFFFF  }
0xad: {  	[dreg:$0x0] =	wrdreg $0x60  }
0xae: {  	[dreg:$0x2] =	wrdreg s24  }
0xaf: {  	[dreg:$0x3] =	wrdreg $0x90000  }
0xb0: {  	[dreg:$0x4] =	wrdreg $0x9  }
0xb1: {  	_ =	task.clear_ibuf [dreg:s6], $0x5FFFF;
	_ =	strace $0x9000004C  }
0xb2: {  	s29 =	simm.s32 $0x9;
	_ =	strace $0x8000004E  }
0xb3: {  	_ =	swait.ge [sflag:s29], $0x1  }
0xb4: {  	[sflag:s29] =	ssyncadd.s32 $0xFFFFFFFF  }
0xb5: {  	_ =	strace $0x9000004E  }
0xb6: {  	_ =	sfence  }
0xb7: {  	s30 =	sld [smem:$0x0];
	_ =	sdelay $0x2  }
0xb8: {  	s31 =	sshll.u32 s1, $0xD;
	s1 =	sshrl.u32 s1, $0x2  }
0xb9: {  	s3 =	sand.u32 $0x4000, s31;
	s1 =	sadd.s32 s1, s30  }
0xba: {  	s0 =	sor.u32 s3, s0;
	s1 =	sshll.u32 s1, $0x11  }
0xbb: {  	s0 =	sor.u32 s1, s0  }
0xbc: {  	s0 =	sadd.s32 $0x8F2B, s0  }
0xbd: {  	[sflag:s0] =	ssyncadd.remote.s32 $0x1  }
0xbe: {  	_ =	sfence.sel $0xFFFF  }
0xbf: {  	[dreg:$0x0] =	wrdreg $0xFFFFFFFF;
	(pc) =	sbr.abs _section_cstart, $3  }
0xc0: {  	[dreg:$0x1] =	wrdreg $0xFFFFFFFF  }
0xc1: {  	_ =	task.clear_ibuf [dreg:s6], $0x2FFFF;
	_ =	strace $0x9FFFFFFF  }
0xc2: {  	(tm) =	ssettm $0x7FFFFFFF  }
0xc3: {  	_ =	shalt  }
tec
execute0_lowered:
.L_overlay_start_1:
0x0: {  	(tag) =	ssettag $0x1  }
0x1: {  	s5 =	rddreg [dreg:$0x0]  }
0x2: {  	s2 =	rddreg [dreg:$0x1]  }
0x3: {  	s0 =	rddreg [dreg:$0x2]  }
0x4: {  	s3 =	simm.s32 $0x0;
	s1 =	stileid.u32;
	s4 =	srdreg.scid  }
0x5: {  	s14 =	simm.s32 $0x5000;
	s15 =	simm.s32 $0x7000;
	s16 =	simm.s32 $0x1  }
0x6: {  	s17 =	simm.s32 $0x2;
	s18 =	simm.s32 $0x0;
	[smem:$0x7FF] =	sst s3  }
0x7: {  	s6 =	smul.u32 $0x14000, s1;
	s7 =	sand.u32 $0x1, s4;
	s8 =	sshll.u32 s1, $0x1  }
0x8: {  	s4 =	sadd.s32 $0x16E00, s5;
	s28 =	smul.u32 $0x50000, s1;
	s31 =	sshll.u32 s1, $0x6  }
0x9: {  	_ =	strace $0x8000004D;
	s9 =	smul.u32 $0x140000, s7;
	s8 =	sor.u32 s7, s8  }
0xa: {  	s7 =	ssub.s32 $0x2, s7;
	s10 =	sshrl.u32 s6, $0x3;
	s8 =	smul.u32 $0x500, s8  }
0xb: {  	s29 =	sshrl.u32 s7, $0x1;
	s30 =	sshrl.u32 s28, $0x2;
	s6 =	sadd.s32 s6, s9  }
0xc: {  	s10 =	sadd.s32 s10, s5;
	s12 =	ssub.s32 s7, s29;
	s6 =	sshrl.u32 s6, $0x3  }
0xd: {  	s13 =	sadd.s32 s30, s2;
	s8 =	sadd.s32 s8, s5;
	s11 =	sadd.s32 s6, s5  }
0xe: {  	s5 =	sadd.s32 $0x3EE00, s10;
	s6 =	sor.u32 $0x1C03, s31;
	s7 =	sadd.s32 $0xCE00, s8  }
0xf: {  	s8 =	sadd.s32 $0x2400, s8;
	s10 =	smax.u32 s12, $0x1;
	s12 =	simm.s32 $0x3  }
0x10: {  	s9 =	sadd.s32 $0x66E00, s11;
	s11 =	sshrl.u32 s13, $0x3;
	s13 =	simm.s32 $0x40  }
.LBB2_1:
0x11: {  	[spmem:s11], [sflag:s6] =	dma.local [hbm:s5], $0x2800  }
0x12: {  	_ =	swait.ge [sflag:s12], $0x2800  }
0x13: {  	[sflag:s12] =	ssyncset.done $0x0  }
0x14: {  	[sflag:s12] =	ssyncadd.s32 $0xFFFFD800  }
0x15: {  	[tilespmem:s3], [sflag:$0x3] =	stream.linear.gather [hbm4b:s7+s3], $0x2780, $0x38;
	[tilespmem:$0x1D000] =	vst v63  }
0x16: {  	_ =	swait.ge [sflag:s12], $0x2780  }
0x17: {  	[sflag:s12] =	ssyncset.done $0x0  }
0x18: {  	s19 =	simm.s32 $0x2800;
	[sflag:s12] =	ssyncadd.s32 $0xFFFFD880  }
0x19: {  	[tilespmem:s19], [sflag:$0x3] =	stream.linear.gather [hbm4b:s8+s3], $0x2780, $0x38;
	[tilespmem:$0x1D000] =	vst v63  }
0x1a: {  	_ =	swait.ge [sflag:s12], $0x2780  }
0x1b: {  	[sflag:s12] =	ssyncset.done $0x0  }
0x1c: {  	[sflag:s12] =	ssyncadd.s32 $0xFFFFD880  }
0x1d: {  	[bflag:$0x0] =	sbarrier.arrive $0xFFFF  }
0x1e: {  	[tilespmem:s14], [sflag:$0x1] =	stream.indirect.gather [hbm4b:s4+s13], $0x80, s3, s13, $0xb8;
	[tilespmem:$0x1D000] =	vst v63  }
0x1f: {  	_ = 	snop  }
0x20: {  	[tilespmem:s15], [sflag:$0x2] =	stream.indirect.gather [hbm4b:s4+s13], $0x80, s13, s13, $0xb8;
	[tilespmem:$0x1D000] =	vst v63  }
0x21: {  	_ =	swait.ge [sflag:s16], $0x2000  }
0x22: {  	[sflag:s16] =	ssyncset.done $0x0  }
0x23: {  	[sflag:s16] =	ssyncadd.s32 $0xFFFFE000  }
0x24: {  	[spmem:s2] =	stream.indirect.scatter.add.f32 [tilespmem:s14], [sflag:$0x3], $0x80, s19, s13, $0xb8;
	[tilespmem:$0x1D000] =	vst v63  }
0x25: {  	_ =	swait.ge [sflag:s12], $0x2000  }
0x26: {  	s30 =	smin.u32 s16, $0x4E;
	[sflag:s12] =	ssyncset.done $0x0  }
0x27: {  	s20 =	sshll.u32 s30, $0x7;
	[sflag:s12] =	ssyncadd.s32 $0xFFFFE000  }
0x28: {  	[tilespmem:s14], [sflag:$0x1] =	stream.indirect.gather [hbm4b:s4+s13], $0x80, s20, s13, $0xb8;
	[tilespmem:$0x1D000] =	vst v63  }
0x29: {  	_ =	swait.ge [sflag:s17], $0x2000  }
0x2a: {  	[sflag:s17] =	ssyncset.done $0x0  }
0x2b: {  	s31 =	simm.s32 $0x2840;
	[sflag:s17] =	ssyncadd.s32 $0xFFFFE000  }
0x2c: {  	[spmem:s2] =	stream.indirect.scatter.add.f32 [tilespmem:s15], [sflag:$0x3], $0x80, s31, s13, $0xb8;
	[tilespmem:$0x1D000] =	vst v63  }
0x2d: {  	_ =	swait.ge [sflag:s12], $0x2000  }
0x2e: {  	s21 =	sor.u32 $0x40, s20;
	[sflag:s12] =	ssyncset.done $0x0  }
0x2f: {  	s19 =	simm.s32 $0x2;
	s20 =	simm.s32 $0x2880;
	[sflag:s12] =	ssyncadd.s32 $0xFFFFE000  }
.LBB2_2:
0x30: {  	[tilespmem:s15], [sflag:$0x2] =	stream.indirect.gather [hbm4b:s4+s13], $0x80, s21, s13, $0xb8;
	[tilespmem:$0x1D000] =	vst v63  }
0x31: {  	s21 =	smov.u32 s19  }
0x32: {  	p0 =	sne.s32 s19, $0x4F;
	s19 =	sadd.s32 $0x1, s19;
	_ =	swait.ge [sflag:s16], $0x2000  }
0x33: {  	[sflag:s16] =	ssyncset.done $0x0  }
0x34: {  	[sflag:s16] =	ssyncadd.s32 $0xFFFFE000  }
0x35: {  	[spmem:s2] =	stream.indirect.scatter.add.f32 [tilespmem:s14], [sflag:$0x3], $0x80, s20, s13, $0xb8;
	[tilespmem:$0x1D000] =	vst v63  }
0x36: {  	_ =	swait.ge [sflag:s12], $0x2000  }
0x37: {  	s21 =	smin.u32 s21, $0x4E;
	[sflag:s12] =	ssyncset.done $0x0  }
0x38: {  	s21 =	sshll.u32 s21, $0x7;
	[sflag:s12] =	ssyncadd.s32 $0xFFFFE000  }
0x39: {  	[tilespmem:s14], [sflag:$0x1] =	stream.indirect.gather [hbm4b:s4+s13], $0x80, s21, s13, $0xb8;
	[tilespmem:$0x1D000] =	vst v63  }
0x3a: {  	_ =	swait.ge [sflag:s17], $0x2000  }
0x3b: {  	[sflag:s17] =	ssyncset.done $0x0  }
.Ltmp0:
0x3c: {  	s22 =	sadd.s32 $0x40, s20;
	[sflag:s17] =	ssyncadd.s32 $0xFFFFE000;
	(pc) =	sbr.rel @p0 .LBB2_2-.Ltmp0, $4  }
0x3d: {  	[spmem:s2] =	stream.indirect.scatter.add.f32 [tilespmem:s15], [sflag:$0x3], $0x80, s22, s13, $0xb8;
	[tilespmem:$0x1D000] =	vst v63  }
0x3e: {  	_ =	swait.ge [sflag:s12], $0x2000  }
0x3f: {  	[sflag:s12] =	ssyncset.done $0x0  }
0x40: {  	s20 =	sadd.s32 $0x80, s20;
	s21 =	sor.u32 $0x40, s21;
	[sflag:s12] =	ssyncadd.s32 $0xFFFFE000  }
0x41: {  	[tilespmem:s15], [sflag:$0x2] =	stream.indirect.gather [hbm4b:s4+s13], $0x80, s21, s13, $0xb8;
	[tilespmem:$0x1D000] =	vst v63  }
0x42: {  	_ =	swait.ge [sflag:s16], $0x2000  }
0x43: {  	[sflag:s16] =	ssyncset.done $0x0  }
0x44: {  	[sflag:s16] =	ssyncadd.s32 $0xFFFFE000  }
0x45: {  	_ =	swait.ge [sflag:s17], $0x2000  }
0x46: {  	s18 =	sadd.s32 $0x1, s18;
	[sflag:s17] =	ssyncset.done $0x0  }
0x47: {  	p0 =	sne.s32 s18, s10;
	[sflag:s17] =	ssyncadd.s32 $0xFFFFE000  }
.Ltmp1:
0x48: {  	[bflag:$0x0] =	sbarrier.arrive $0xFFFF;
	(pc) =	sbr.rel @p0 .LBB2_1-.Ltmp1, $4  }
0x49: {  	[hbm:s9], [sflag:s6] =	dma.local [spmem:s11], $0x2800  }
0x4a: {  	_ =	swait.ge [sflag:s12], $0x2800  }
0x4b: {  	[sflag:s12] =	ssyncset.done $0x0  }
0x4c: {  	[sflag:s12] =	ssyncadd.s32 $0xFFFFD800  }
0x4d: {  	_ =	sfence.sel $0x180000  }
0x4e: {  	[bflag:$0x0] =	sbarrier.arrive $0xFFFF  }
0x4f: {  	p0 =	sne.s32 s1, $0x0;
	_ =	strace $0x9000004D  }
0x50: {  	s0 =	sadd.s32 @!p0 $0x100000, s0;
	[bflag:$0x2] =	sbarrier.arrive $0xFFFF  }
0x51: {  	[sflag:s0] =	ssyncadd.tile.s32 @!p0 $0x1;
	_ =	shalt  }
.Lfunc_end2:
_tile_overlayer_lowered:
.L_overlay_start_2:
0x52: {  	(tag) =	ssettag $0x2  }
0x53: {  	s0 =	rddreg [dreg:$0x0];
	s2 =	stileid.u32  }
0x54: {  	s1 =	rddreg [dreg:$0x1];
	p0 =	sne.s32 s2, $0x0  }
0x55: {  	s3 =	rddreg [dreg:$0x2];
	[bflag:$0x3] =	sbarrier.arrive $0xFFFF;
	s2 =	simm.s32 @!p0 $0x1C03  }
0x56: {  	[timem:s3], [sflag:s2] =	dma.local @!p0 [hbm:s0], s1  }
0x57: {  	s0 =	simm.s32 @!p0 $0x3  }
0x58: {  	_ =	swait.ge @!p0 [sflag:s0], s1  }
0x59: {  	s1 =	ssub.s32 @!p0 $0x0, s1;
	[sflag:s0] =	ssyncset.done @!p0 $0x0  }
0x5a: {  	[sflag:s0] =	ssyncadd.s32 @!p0 s1  }
0x5b: {  	[bflag:$0x3] =	sbarrier.arrive $0xFFFF  }
0x5c: {  	_ =	shalt  }

// kernel: kernel.9.cloned.1.call-start
scs
__scs_entry_jumppad:
0x0: {  	(pc) =	sbr.rel $0x88, $3  }
0x1: {  	(tag) =	ssettag $0x0;
	lr =	simm.s32 $0x1  }
0x2: {  	[smem:$0x3F97] =	sst lr;
	_ =	strace $0xD0000000  }
0x3: {  	_ = 	snop  }
0x4: {  	_ = 	snop  }
0x5: {  	_ = 	snop  }
0x6: {  	_ = 	snop  }
0x7: {  	_ = 	snop  }
__scs_overlays_trampoline_lowered:
0x8: {  	[smem:$0x3FA6] =	sst s0  }
0x9: {  	[smem:$0x3FA7] =	sst s1  }
0xa: {  	[smem:$0x3FA8] =	sst s2  }
0xb: {  	[smem:$0x3FA9] =	sst s3  }
0xc: {  	[smem:$0x3FAA] =	sst s4  }
0xd: {  	[smem:$0x3FAB] =	sst s5  }
0xe: {  	[smem:$0x3FAC] =	sst s6  }
0xf: {  	[smem:$0x3FAD] =	sst s7  }
0x10: {  	[smem:$0x3FAE] =	sst s8  }
0x11: {  	[smem:$0x3FAF] =	sst s9;
	s0 =	simm.s32 @!p0 $0x0  }
0x12: {  	s1 =	sld [smem:$0x3F95];
	s0 =	simm.s32 @p0 $0x1  }
0x13: {  	[smem:$0x3FB0] =	sst s0;
	s0 =	simm.s32 @!p1 $0x0  }
0x14: {  	s2 =	sld [smem:$0x3F94];
	s0 =	simm.s32 @p1 $0x1  }
0x15: {  	[smem:$0x3FB1] =	sst s0;
	s0 =	simm.s32 @!p2 $0x0  }
0x16: {  	s3 =	sld [smem:$0x3FDB];
	s0 =	simm.s32 @p2 $0x1  }
0x17: {  	s4 =	simm.s32 $0x1BF5;
	[smem:$0x3FB3] =	sst s0  }
0x18: {  	s0 =	sld [smem:$0x3F96];
	_ =	swait.ge [sflag:s4], $0x0  }
0x19: {  	s7 =	sld [smem:$0x3F97]  }
0x1a: {  	s8 =	sadd.s32 $0xFFFFE003, lr  }
0x1b: {  	s9 =	sadd.s32 $0xFFFFFEF7, lr;
	s5 =	simm.s32 $0xFFFFFFFF;
	p2 =	slt.u32 s8, $0xFFFFF086  }
0x1c: {  	p1 =	slt.u32 s9, $0xF7A;
	s5 =	simm.s32 @!p2 $0x0  }
0x1d: {  	s5 =	simm.s32 @p1 $0x1;
	p0 =	seq.s32 s7, s2  }
0x1e: {  	s7 =	smul.u32 @!p0 $0xF7A, s2;
	p2 =	seq.s32 @!p0 s5, $0x0  }
0x1f: {  	s9 =	smul.u32 $0xF7A, s1;
	s8 =	simm.s32 @!p0 $0x1BF5;
	p2 =	por !p2, p0  }
0x20: {  	[sflag:s8] =	ssyncset.s32 @!p0 $0xFFFFF086;
	s6 =	sadd.s32 @!p0 s3, s7;
	s7 =	simm.s32 @!p0 $0x108  }
0x21: {  	s3 =	sadd.s32 s3, s9;
	s6 =	sadd.s32 @!p0 $0x88, s6;
	s7 =	simm.s32 @p2 $0x1082  }
0x22: {  	[simem:s7], [sflag:s8] =	dma.local @!p0 [hbm:s6], $0xF7A  }
0x23: {  	s9 =	sor.u32 $0xD0000000, s2;
	s6 =	simm.s32 $0x108;
	_ =	swait.ge @!p0 [sflag:s8], $0x0  }
0x24: {  	s3 =	sadd.s32 $0x88, s3;
	s6 =	simm.s32 @!p1 $0x1082;
	[sflag:s4] =	ssyncset.s32 $0xFFFFF086  }
0x25: {  	[simem:s6], [sflag:s4] =	dma.local [hbm:s3], $0xF7A  }
0x26: {  	[smem:$0x3F97] =	sst s1;
	(tag) =	ssettag s2;
	_ =	strace s9  }
0x27: {  	s1 =	sld [smem:$0x3FA7]  }
0x28: {  	s2 =	sld [smem:$0x3FA8]  }
0x29: {  	s4 =	sld [smem:$0x3FAA]  }
0x2a: {  	p0 =	seq.s32 s5, $0x0;
	s5 =	sld [smem:$0x3FAB]  }
0x2b: {  	s6 =	sld [smem:$0x3FAC]  }
0x2c: {  	s7 =	sld [smem:$0x3FAD]  }
0x2d: {  	s3 =	simm.s32 $0x108;
	s8 =	sld [smem:$0x3FAE]  }
0x2e: {  	s3 =	simm.s32 @!p0 $0x1082;
	s9 =	sld [smem:$0x3FAF]  }
0x2f: {  	lr =	sadd.s32 s0, s3;
	s0 =	sld [smem:$0x3FA6]  }
0x30: {  	s3 =	sld [smem:$0x3FA9]  }
0x31: {  	[smem:$0x3FB2] =	sst s10  }
0x32: {  	s10 =	sld [smem:$0x3FB0];
	_ =	sdelay $0x3  }
0x33: {  	p0 =	seq.s32 s10, $0x1;
	s10 =	sld [smem:$0x3FB2];
	_ =	sdelay $0x3  }
0x34: {  	[smem:$0x3FB2] =	sst s10  }
0x35: {  	s10 =	sld [smem:$0x3FB1];
	_ =	sdelay $0x3  }
0x36: {  	p1 =	seq.s32 s10, $0x1;
	s10 =	sld [smem:$0x3FB2];
	_ =	sdelay $0x3  }
0x37: {  	[smem:$0x3FB2] =	sst s10  }
0x38: {  	s10 =	sld [smem:$0x3FB3]  }
0x39: {  	_ = 	snop;
	(pc) =	sbr.ind lr, $3  }
0x3a: {  	_ = 	snop  }
0x3b: {  	_ = 	snop  }
0x3c: {  	p2 =	seq.s32 s10, $0x1;
	s10 =	sld [smem:$0x3FB2]  }
0x3d: {  	_ =	shalt  }
0x3e: {  	_ =	shalt  }
0x3f: {  	_ =	shalt  }
0x40: {  	_ =	shalt  }
0x41: {  	_ =	shalt  }
0x42: {  	_ =	shalt  }
0x43: {  	_ =	shalt  }
0x44: {  	_ =	shalt  }
0x45: {  	_ =	shalt  }
0x46: {  	_ =	shalt  }
0x47: {  	_ =	shalt  }
0x48: {  	_ =	shalt  }
0x49: {  	_ =	shalt  }
0x4a: {  	_ =	shalt  }
0x4b: {  	_ =	shalt  }
0x4c: {  	_ =	shalt  }
0x4d: {  	_ =	shalt  }
0x4e: {  	_ =	shalt  }
0x4f: {  	_ =	shalt  }
0x50: {  	_ =	shalt  }
0x51: {  	_ =	shalt  }
0x52: {  	_ =	shalt  }
0x53: {  	_ =	shalt  }
0x54: {  	_ =	shalt  }
0x55: {  	_ =	shalt  }
0x56: {  	_ =	shalt  }
0x57: {  	_ =	shalt  }
0x58: {  	_ =	shalt  }
0x59: {  	_ =	shalt  }
0x5a: {  	_ =	shalt  }
0x5b: {  	_ =	shalt  }
0x5c: {  	_ =	shalt  }
0x5d: {  	_ =	shalt  }
0x5e: {  	_ =	shalt  }
0x5f: {  	_ =	shalt  }
0x60: {  	_ =	shalt  }
0x61: {  	_ =	shalt  }
0x62: {  	_ =	shalt  }
0x63: {  	_ =	shalt  }
0x64: {  	_ =	shalt  }
0x65: {  	_ =	shalt  }
0x66: {  	_ =	shalt  }
0x67: {  	_ =	shalt  }
0x68: {  	_ =	shalt  }
0x69: {  	_ =	shalt  }
0x6a: {  	_ =	shalt  }
0x6b: {  	_ =	shalt  }
0x6c: {  	_ =	shalt  }
0x6d: {  	_ =	shalt  }
0x6e: {  	_ =	shalt  }
0x6f: {  	_ =	shalt  }
0x70: {  	_ =	shalt  }
0x71: {  	_ =	shalt  }
0x72: {  	_ =	shalt  }
0x73: {  	_ =	shalt  }
0x74: {  	_ =	shalt  }
0x75: {  	_ =	shalt  }
0x76: {  	_ =	shalt  }
0x77: {  	_ =	shalt  }
0x78: {  	_ =	shalt  }
0x79: {  	_ =	shalt  }
0x7a: {  	_ =	shalt  }
0x7b: {  	_ =	shalt  }
0x7c: {  	_ =	shalt  }
0x7d: {  	_ =	shalt  }
0x7e: {  	_ =	shalt  }
0x7f: {  	_ =	shalt  }
0x80: {  	_ =	shalt  }
0x81: {  	_ =	shalt  }
0x82: {  	_ =	shalt  }
0x83: {  	_ =	shalt  }
0x84: {  	_ =	shalt  }
0x85: {  	_ =	shalt  }
0x86: {  	_ =	shalt  }
0x87: {  	_ =	shalt  }
.Lfunc_end0:
.L_simem_size_0:
called_computation_lowered:
.L_overlay_start_0:
0x88: {  	s2 =	sld [smem:$0x3FD9]  }
0x89: {  	s3 =	sld [smem:$0x3FFE];
	_ =	sdelay $0x1  }
0x8a: {  	s1 =	srdreg.scid  }
0x8b: {  	s0 =	sand.u32 $0x1, s1  }
0x8c: {  	s17 =	sshll.u32 s0, $0xA;
	s2 =	sadd.s32 s3, s2  }
0x8d: {  	s2 =	sadd.s32 s2, s17  }
0x8e: {  	[smem:$0x3FBE] =	sst s2  }
0x8f: {  	_ = 	snop  }
0x90: {  	s2 =	sld [smem:$0x3FD0];
	(tm) =	ssettm $0x1  }
0x91: {  	s18 =	sld [smem:$0x3FFB];
	_ =	sdelay $0x3  }
0x92: {  	_ =	strace s18  }
0x93: {  	s3 =	sld [smem:$0x3FFC];
	_ =	sdelay $0x3  }
0x94: {  	_ =	strace s3  }
0x95: {  	s3 =	sld [smem:$0x3FFD];
	_ =	sdelay $0x3  }
0x96: {  	_ =	strace s3  }
0x97: {  	_ =	strace $0x8FFFFFFF  }
0x98: {  	s19 =	sld [smem:$0x3FDB];
	_ =	sdelay $0x1  }
0x99: {  	s4 =	simm.s32 $_scs_section_size  }
0x9a: {  	s5 =	simm.s32 $_size__tile_overlayer_lowered;
	s6 =	simm.s32 $_tile_overlayer_lowered  }
0x9b: {  	s22 =	simm.s32 $0x1BFF;
	s21 =	sshll.u32 s6, $0x1;
	s3 =	sadd.s32 s4, s19  }
0x9c: {  	s7 =	simm.s32 $0x0;
	s20 =	sshll.u32 s5, $0x1;
	s5 =	sadd.s32 s21, s3  }
0x9d: {  	[timem:s7], [sflag:s22] =	dma.local [hbm:s5], s20  }
0x9e: {  	_ =	swait.ge [sflag:s22], s20  }
0x9f: {  	s4 =	ssub.s32 $0x0, s20;
	[sflag:s22] =	ssyncset.done $0x0  }
0xa0: {  	[sflag:s22] =	ssyncadd.s32 s4;
	_ =	sdelay $0x1  }
0xa1: {  	s23 =	simm.s32 $0x1B8B  }
0xa2: {  	_ =	swait.ge [sflag:s23], $0x1  }
0xa3: {  	[sflag:s23] =	ssyncset.done $0x0  }
0xa4: {  	s25 =	simm.s32 $0x1B8E;
	s24 =	sld [smem:$0x3FFE];
	[sflag:s23] =	ssyncadd.s32 $0xFFFFFFFF  }
0xa5: {  	s26 =	simm.s32 $execute0_lowered;
	[smem:$0x3FD2] =	sst s25  }
0xa6: {  	s5 =	sshll.u32 s26, $0x1;
	_ =	strace $0x80000046;
	[dreg:$0x1] =	wrdreg $0xFFFFFFFF  }
0xa7: {  	s28 =	simm.s32 $_size_execute0_lowered;
	s3 =	sadd.s32 s3, s5;
	[dreg:$0x0] =	wrdreg $0x0  }
0xa8: {  	s5 =	sshll.u32 s28, $0x1;
	[dreg:$0x2] =	wrdreg s3  }
0xa9: {  	[dreg:$0x3] =	wrdreg s5  }
0xaa: {  	[dreg:$0x4] =	wrdreg $0xC0  }
0xab: {  	_ =	task [dreg:s7], $0x5FFFF  }
0xac: {  	[dreg:$0x1] =	wrdreg $0xFFFFFFFF  }
0xad: {  	[dreg:$0x0] =	wrdreg $0x60  }
0xae: {  	[dreg:$0x2] =	wrdreg s2  }
0xaf: {  	[dreg:$0x3] =	wrdreg s24  }
0xb0: {  	[dreg:$0x4] =	wrdreg $0x28800  }
0xb1: {  	[dreg:$0x5] =	wrdreg $0x9  }
0xb2: {  	_ =	task.clear_ibuf [dreg:s7], $0x6FFFF;
	_ =	strace $0x90000046  }
0xb3: {  	s29 =	simm.s32 $0x9;
	_ =	strace $0x80000048  }
0xb4: {  	_ =	swait.ge [sflag:s29], $0x1  }
0xb5: {  	[sflag:s29] =	ssyncadd.s32 $0xFFFFFFFF  }
0xb6: {  	_ =	strace $0x90000048  }
0xb7: {  	_ =	sfence  }
0xb8: {  	s30 =	sld [smem:$0x0];
	_ =	sdelay $0x2  }
0xb9: {  	s31 =	sshll.u32 s1, $0xD;
	s1 =	sshrl.u32 s1, $0x2  }
0xba: {  	s3 =	sand.u32 $0x4000, s31;
	s1 =	sadd.s32 s1, s30  }
0xbb: {  	s0 =	sor.u32 s3, s0;
	s1 =	sshll.u32 s1, $0x11  }
0xbc: {  	s0 =	sor.u32 s1, s0  }
0xbd: {  	s0 =	sadd.s32 $0x8F2B, s0  }
0xbe: {  	[sflag:s0] =	ssyncadd.remote.s32 $0x1  }
0xbf: {  	_ =	sfence.sel $0xFFFF  }
0xc0: {  	[dreg:$0x0] =	wrdreg $0xFFFFFFFF;
	(pc) =	sbr.abs _section_cstart, $3  }
0xc1: {  	[dreg:$0x1] =	wrdreg $0xFFFFFFFF  }
0xc2: {  	_ =	task.clear_ibuf [dreg:s7], $0x2FFFF;
	_ =	strace $0x9FFFFFFF  }
0xc3: {  	(tm) =	ssettm $0x7FFFFFFF  }
tec
execute0_lowered:
.L_overlay_start_1:
0x0: {  	(tag) =	ssettag $0x1  }
0x1: {  	s4 =	rddreg [dreg:$0x0]  }
0x2: {  	s5 =	rddreg [dreg:$0x1]  }
0x3: {  	s1 =	rddreg [dreg:$0x2]  }
0x4: {  	s0 =	rddreg [dreg:$0x3];
	s3 =	simm.s32 $0x0  }
0x5: {  	s6 =	srdreg.scid;
	s2 =	stileid.u32;
	s12 =	simm.s32 $0x2800  }
0x6: {  	s13 =	simm.s32 $0x20;
	s14 =	simm.s32 $0x10;
	s15 =	simm.s32 $0x0  }
0x7: {  	[smem:$0x7FF] =	sst s3;
	s6 =	sand.u32 $0x1, s6;
	s8 =	smul.u32 $0x500, s2  }
0x8: {  	s7 =	sshll.u32 s2, $0x1;
	s10 =	smul.u32 $0x280, s2;
	s31 =	sshll.u32 s2, $0x6  }
0x9: {  	_ =	strace $0x80000047;
	s7 =	sor.u32 s6, s7;
	s9 =	sshll.u32 s6, $0x7  }
0xa: {  	s6 =	ssub.s32 $0x2, s6;
	s7 =	smul.u32 $0x500, s7;
	s8 =	sor.u32 s9, s8  }
0xb: {  	s29 =	sshrl.u32 s6, $0x1;
	s11 =	sadd.s32 s10, s1;
	s30 =	sshrl.u32 s10, $0x3  }
0xc: {  	s10 =	simm.s32 $0x1;
	s8 =	sshrl.u32 s8, $0x3;
	s9 =	ssub.s32 s6, s29  }
0xd: {  	s4 =	sadd.s32 s4, s30;
	s7 =	sadd.s32 s7, s5;
	s8 =	sadd.s32 s8, s5  }
0xe: {  	s5 =	sor.u32 $0x1C01, s31;
	s6 =	sadd.s32 $0x2400, s7;
	s7 =	sadd.s32 $0xC400, s8  }
0xf: {  	v0 =	vimm.f32 $1.000000000e+00;
	s8 =	smax.u32 s9, $0x1;
	s9 =	sshrl.u32 s11, $0x3;
	s11 =	simm.s32 $0x80  }
.LBB2_1:
0x10: {  	[spmem:s9], [sflag:s5] =	dma.local [hbm:s4], $0x50  }
0x11: {  	_ =	swait.ge [sflag:s10], $0x50  }
0x12: {  	[sflag:s10] =	ssyncset.done $0x0  }
0x13: {  	[sflag:s10] =	ssyncadd.s32 $0xFFFFFFB0  }
0x14: {  	[tilespmem:s3], [sflag:$0x1] =	stream.linear.gather [hbm4b:s6+s3], $0x2780, $0x38;
	[tilespmem:$0x2B00] =	vst v63  }
0x15: {  	_ =	swait.ge [sflag:s10], $0x2780  }
0x16: {  	[sflag:s10] =	ssyncset.done $0x0  }
0x17: {  	[sflag:s10] =	ssyncadd.s32 $0xFFFFD880  }
0x18: {  	[tilespmem:$0x2800] =	vst v0  }
0x19: {  	[tilespmem:$0x2810] =	vst v0  }
0x1a: {  	[tilespmem:$0x2820] =	vst v0  }
0x1b: {  	[tilespmem:$0x2830] =	vst v0  }
0x1c: {  	[tilespmem:$0x2840] =	vst v0  }
0x1d: {  	[tilespmem:$0x2850] =	vst v0  }
0x1e: {  	[tilespmem:$0x2860] =	vst v0  }
0x1f: {  	[tilespmem:$0x2870] =	vst v0  }
0x20: {  	s16 =	simm.s32 $0x0;
	[bflag:$0x0] =	sbarrier.arrive $0xFFFF  }
0x21: {  	[spmem:s1] =	stream.indirect.scatter.add.f32 [tilespmem:s12], [sflag:$0x1], $0x1, s16, s11, $0xb8;
	[tilespmem:$0x2B00] =	vst v63  }
0x22: {  	_ =	swait.ge [sflag:s10], $0x80  }
0x23: {  	s16 =	simm.s32 $0x200;
	[sflag:s10] =	ssyncset.done $0x0  }
.LBB2_2:
0x24: {  	s17 =	sshra.s32 s16, $0x2;
	[sflag:s10] =	ssyncadd.s32 $0xFFFFFF80;
	p0 =	sne.s32 s16, $0x9C00  }
0x25: {  	[spmem:s1] =	stream.indirect.scatter.add.f32 [tilespmem:s12], [sflag:$0x1], $0x1, s17, s11, $0xb8;
	[tilespmem:$0x2B00] =	vst v63  }
.Ltmp0:
0x26: {  	_ = 	snop;
	(pc) =	sbr.rel @p0 .LBB2_2-.Ltmp0, $4  }
0x27: {  	_ = 	snop  }
0x28: {  	s16 =	sadd.s32 $0x200, s16  }
0x29: {  	_ =	swait.ge [sflag:s10], $0x80  }
0x2a: {  	[sflag:s10] =	ssyncset.done $0x0  }
0x2b: {  	s15 =	sadd.s32 $0x1, s15  }
0x2c: {  	[sflag:s10] =	ssyncadd.s32 $0xFFFFFF80;
	p0 =	sne.s32 s15, s8  }
.Ltmp1:
0x2d: {  	[bflag:$0x0] =	sbarrier.arrive $0xFFFF;
	(pc) =	sbr.rel @p0 .LBB2_1-.Ltmp1, $4  }
0x2e: {  	[hbm:s7@s13], [sflag:s5] =	dma.strided [spmem:s9@s14], $0x50, s10, $0x10   }
0x2f: {  	_ =	swait.ge [sflag:s10], $0x50  }
0x30: {  	[sflag:s10] =	ssyncset.done $0x0  }
0x31: {  	[sflag:s10] =	ssyncadd.s32 $0xFFFFFFB0  }
0x32: {  	_ =	sfence.sel $0x180000  }
0x33: {  	[bflag:$0x0] =	sbarrier.arrive $0xFFFF  }
0x34: {  	p0 =	sne.s32 s2, $0x0;
	_ =	strace $0x90000047  }
0x35: {  	s0 =	sadd.s32 @!p0 $0x100000, s0;
	[bflag:$0x2] =	sbarrier.arrive $0xFFFF  }
0x36: {  	[sflag:s0] =	ssyncadd.tile.s32 @!p0 $0x1;
	_ =	shalt  }
.Lfunc_end2:
_tile_overlayer_lowered:
.L_overlay_start_2:
0x37: {  	(tag) =	ssettag $0x2  }
0x38: {  	s0 =	rddreg [dreg:$0x0];
	s2 =	stileid.u32  }
0x39: {  	s1 =	rddreg [dreg:$0x1];
	p0 =	sne.s32 s2, $0x0  }
0x3a: {  	s3 =	rddreg [dreg:$0x2];
	[bflag:$0x3] =	sbarrier.arrive $0xFFFF;
	s2 =	simm.s32 @!p0 $0x1C01  }
0x3b: {  	[timem:s3], [sflag:s2] =	dma.local @!p0 [hbm:s0], s1  }
0x3c: {  	s0 =	simm.s32 @!p0 $0x1  }
0x3d: {  	_ =	swait.ge @!p0 [sflag:s0], s1  }
0x3e: {  	s1 =	ssub.s32 @!p0 $0x0, s1;
	[sflag:s0] =	ssyncset.done @!p0 $0x0  }
0x3f: {  	[sflag:s0] =	ssyncadd.s32 @!p0 s1  }
0x40: {  	[bflag:$0x3] =	sbarrier.arrive $0xFFFF  }
0x41: {  	_ =	shalt  }

</sc_bundles>
